<compile_context>
chip_gen: v7x
topology: tpu7x:2x2x1
jax: 0.10.2.dev20260603
libtpu: 0.0.44.dev20260713+nightly
codegen_flags: <defaults>
</compile_context>

<pallas_src>
import jax
import jax.numpy as jnp
from jax import lax
from jax.experimental import pallas as pl
from jax.experimental.pallas import tpu as pltpu
from jax.experimental.pallas import tpu_sc as plsc

N = 10000
E = 320000
D = 128

NP = 10240
NC = 2
NS = 16
NW = NC * NS
EPW = E // NW
CH = 80
NCHUNK = EPW // CH
ROWS_PT = NP // NS
ZROWS = 32
DEG_W = 16

_mesh = plsc.VectorSubcoreMesh(core_axis_name="c", subcore_axis_name="s",
                               num_cores=NC, num_subcores=NS)


def _agg_body(g_hbm, src_hbm, dst_hbm, zeros_hbm, out_hbm,
              src_v, dst_v, rows_v, acc, gsem, ssem):
    c = lax.axis_index("c")
    s = lax.axis_index("s")
    wid = s * NC + c
    ebase = wid * EPW
    rbase = s * ROWS_PT

    @pl.when(c == 0)
    def _():
        pltpu.sync_copy(g_hbm.at[pl.ds(rbase, ROWS_PT)],
                        acc.at[pl.ds(rbase, ROWS_PT)])

    @pl.when(c != 0)
    def _():
        def zcopy(t, _):
            pltpu.sync_copy(zeros_hbm,
                            acc.at[pl.ds(rbase + t * ZROWS, ZROWS)])
            return 0

        lax.fori_loop(0, ROWS_PT // ZROWS, zcopy, 0)

    plsc.subcore_barrier()

    pltpu.sync_copy(src_hbm.at[pl.ds(ebase, CH)], src_v.at[0])
    pltpu.sync_copy(dst_hbm.at[pl.ds(ebase, CH)], dst_v.at[0])
    pltpu.async_copy(g_hbm.at[src_v.at[0]], rows_v.at[0], gsem)

    def chunk(j, _):
        p = lax.rem(j, 3)
        q = lax.rem(j + 1, 3)

        @pl.when(j >= 2)
        def _():
            pltpu.make_async_copy(rows_v.at[q], acc.at[dst_v.at[q]],
                                  ssem).wait()

        @pl.when(j < NCHUNK - 1)
        def _():
            pltpu.sync_copy(src_hbm.at[pl.ds(ebase + (j + 1) * CH, CH)],
                            src_v.at[q])
            pltpu.sync_copy(dst_hbm.at[pl.ds(ebase + (j + 1) * CH, CH)],
                            dst_v.at[q])
            pltpu.async_copy(g_hbm.at[src_v.at[q]], rows_v.at[q], gsem)

        pltpu.make_async_copy(g_hbm.at[src_v.at[p]], rows_v.at[p],
                              gsem).wait()
        pltpu.async_copy(rows_v.at[p], acc.at[dst_v.at[p]], ssem,
                         add=True)
        return 0

    lax.fori_loop(0, NCHUNK, chunk, 0)
    for t in (NCHUNK - 2, NCHUNK - 1):
        tp = t % 3
        pltpu.make_async_copy(rows_v.at[tp], acc.at[dst_v.at[tp]],
                              ssem).wait()

    plsc.subcore_barrier()
    pltpu.sync_copy(acc.at[pl.ds(rbase, ROWS_PT)],
                    out_hbm.at[c, pl.ds(rbase, ROWS_PT)])


_agg_call = pl.kernel(
    _agg_body,
    out_type=jax.ShapeDtypeStruct((NC, NP, D), jnp.float32),
    mesh=_mesh,
    scratch_types=[
        pltpu.VMEM((3, CH), jnp.int32),
        pltpu.VMEM((3, CH), jnp.int32),
        pltpu.VMEM((3, CH, D), jnp.float32),
        pltpu.VMEM_SHARED((NP, D), jnp.float32),
        pltpu.SemaphoreType.DMA,
        pltpu.SemaphoreType.DMA,
    ],
)


def _deg_body(dst_hbm, out_hbm, dst_v, ones_v, tcol_v, wide_v, acc, ssem):
    c = lax.axis_index("c")
    s = lax.axis_index("s")
    wid = s * NC + c
    ebase = wid * EPW
    rbase = s * ROWS_PT

    def fill_ones(i, _):
        ones_v[i, :] = jnp.ones((DEG_W,), jnp.float32)
        return 0

    lax.fori_loop(0, CH, fill_ones, 0)

    @pl.when(c == 0)
    def _():
        def fill_init(i, _):
            tcol_v[i, :] = jnp.ones((DEG_W,), jnp.float32)
            return 0
        lax.fori_loop(0, ZROWS, fill_init, 0)

    @pl.when(c != 0)
    def _():
        def fill_init(i, _):
            tcol_v[i, :] = jnp.zeros((DEG_W,), jnp.float32)
            return 0
        lax.fori_loop(0, ZROWS, fill_init, 0)

    def icopy(t, _):
        pltpu.sync_copy(tcol_v, acc.at[pl.ds(rbase + t * ZROWS, ZROWS)])
        return 0

    lax.fori_loop(0, ROWS_PT // ZROWS, icopy, 0)
    plsc.subcore_barrier()

    pltpu.sync_copy(dst_hbm.at[pl.ds(ebase, CH)], dst_v.at[0])

    def chunk(j, _):
        p = lax.rem(j, 2)
        q = lax.rem(j + 1, 2)

        @pl.when(j > 0)
        def _():
            pltpu.make_async_copy(ones_v, acc.at[dst_v.at[q]], ssem).wait()

        @pl.when(j < NCHUNK - 1)
        def _():
            pltpu.sync_copy(dst_hbm.at[pl.ds(ebase + (j + 1) * CH, CH)],
                            dst_v.at[q])

        pltpu.async_copy(ones_v, acc.at[dst_v.at[p]], ssem, add=True)
        return 0

    lax.fori_loop(0, NCHUNK, chunk, 0)
    lp = (NCHUNK - 1) % 2
    pltpu.make_async_copy(ones_v, acc.at[dst_v.at[lp]], ssem).wait()
    plsc.subcore_barrier()

    def wblock(t, _):
        pltpu.sync_copy(acc.at[pl.ds(rbase + t * ZROWS, ZROWS)], tcol_v)

        def repack(i, _):
            row = tcol_v[i, :]
            for k in range(D // DEG_W):
                wide_v[i, pl.ds(k * DEG_W, DEG_W)] = row
            return 0

        lax.fori_loop(0, ZROWS, repack, 0)
        pltpu.sync_copy(wide_v,
                        out_hbm.at[c, pl.ds(rbase + t * ZROWS, ZROWS)])
        return 0

    lax.fori_loop(0, ROWS_PT // ZROWS, wblock, 0)


_deg_call = pl.kernel(
    _deg_body,
    out_type=jax.ShapeDtypeStruct((NC, NP, D), jnp.float32),
    mesh=_mesh,
    scratch_types=[
        pltpu.VMEM((2, CH), jnp.int32),
        pltpu.VMEM((CH, DEG_W), jnp.float32),
        pltpu.VMEM((ZROWS, DEG_W), jnp.float32),
        pltpu.VMEM((ZROWS, D), jnp.float32),
        pltpu.VMEM_SHARED((NP, DEG_W), jnp.float32),
        pltpu.SemaphoreType.DMA,
    ],
    compiler_params=pltpu.CompilerParams(use_tc_tiling_on_sc=False),
)


def _mm0_body(x_ref, w_ref, h_ref):
    h_ref[...] = jnp.dot(x_ref[...], w_ref[...],
                         preferred_element_type=jnp.float32)


def _scale0_body(h_ref, degp_ref, g_ref, dinv_ref):
    d = degp_ref[0, pl.ds(0, N), :] + degp_ref[1, pl.ds(0, N), :]
    deg = jnp.max(d, axis=1, keepdims=True)
    dinv = lax.rsqrt(deg)
    dinv_ref[...] = dinv
    g_ref[pl.ds(0, N), :] = h_ref[...] * dinv
    g_ref[pl.ds(N, NP - N), :] = jnp.zeros((NP - N, D), jnp.float32)


def _dense1_body(q_ref, dinv_ref, b0_ref, w1_ref, g_ref):
    dinv = dinv_ref[...]
    qsum = q_ref[0, pl.ds(0, N), :] + q_ref[1, pl.ds(0, N), :]
    t = qsum * dinv + b0_ref[...]
    a = jnp.where(t > 0, t, 0.01 * t)
    h = jnp.dot(a, w1_ref[...], preferred_element_type=jnp.float32)
    g_ref[pl.ds(0, N), :] = h * dinv
    g_ref[pl.ds(N, NP - N), :] = jnp.zeros((NP - N, D), jnp.float32)


def _dense2_body(r_ref, dinv_ref, b1_ref, out_ref):
    rsum = r_ref[0, pl.ds(0, N), :] + r_ref[1, pl.ds(0, N), :]
    out_ref[...] = rsum * dinv_ref[...] + b1_ref[...]


@jax.jit
def kernel(x, edge_index, W0, b0, W1, b1):
    src = edge_index[0]
    dst = edge_index[1]

    zeros_blk = jnp.zeros((ZROWS, D), jnp.float32)

    degp = _deg_call(dst)

    h0 = pl.pallas_call(
        _mm0_body,
        out_shape=jax.ShapeDtypeStruct((N, D), jnp.float32),
    )(x, W0)

    g0, dinv = pl.pallas_call(
        _scale0_body,
        out_shape=[
            jax.ShapeDtypeStruct((NP, D), jnp.float32),
            jax.ShapeDtypeStruct((N, 1), jnp.float32),
        ],
    )(h0, degp)

    q = _agg_call(g0, src, dst, zeros_blk)

    g1 = pl.pallas_call(
        _dense1_body,
        out_shape=jax.ShapeDtypeStruct((NP, D), jnp.float32),
    )(q, dinv, b0.reshape(1, D), W1)

    r = _agg_call(g1, src, dst, zeros_blk)

    out = pl.pallas_call(
        _dense2_body,
        out_shape=jax.ShapeDtypeStruct((N, D), jnp.float32),
    )(r, dinv, b1.reshape(1, D))

    return out

# --- scband reference (transcript-rebuilt; emitter-appended) ---
"""Pipeline reference for scband-gcnconv-net-57286273794159 (READ-ONLY COPY).

The authoritative reference and input builder live on the scoring server;
editing this copy changes nothing except your own understanding.
"""

import jax, jax.numpy as jnp
import numpy as np

N = 10000
E = 320000
D = 128


def gcn_conv(x, edge_index, W, b):
    n = x.shape[0]
    src = edge_index[0]
    dst = edge_index[1]
    loop = jnp.arange(n, dtype=src.dtype)
    src = jnp.concatenate([src, loop])
    dst = jnp.concatenate([dst, loop])
    h = x @ W
    deg = jnp.zeros((n,), dtype=x.dtype).at[dst].add(1.0)
    dinv = jnp.where(deg > 0, 1.0 / jnp.sqrt(deg), 0.0)
    norm = dinv[src] * dinv[dst]
    msg = h[src] * norm[:, None]
    out = jax.ops.segment_sum(msg, dst, num_segments=n)
    return out + b


def setup_inputs(seed: int = 0) -> dict:
    key = jax.random.key(seed)
    k1, k2, k3, k4, k5, k6 = jax.random.split(key, 6)
    x = jax.random.normal(k1, (N, D), dtype=jnp.float32)
    edge_index = jax.random.randint(k2, (2, E), 0, N, dtype=jnp.int32)
    s = 1.0 / np.sqrt(D)
    W0 = jax.random.normal(k3, (D, D), dtype=jnp.float32) * s
    b0 = jnp.zeros((D,), dtype=jnp.float32)
    W1 = jax.random.normal(k4, (D, D), dtype=jnp.float32) * s
    b1 = jnp.zeros((D,), dtype=jnp.float32)
    return {"x": x, "edge_index": edge_index, "W0": W0, "b0": b0, "W1": W1, "b1": b1}


def reference(x, edge_index, W0, b0, W1, b1):
    # layer 0: GCNConv(input_dim -> embedding_dim), bn=Identity, dropout=Identity, leaky_relu
    h = gcn_conv(x, edge_index, W0, b0)
    h = jax.nn.leaky_relu(h, negative_slope=0.01)
    # layer 1 (last): GCNConv(embedding_dim -> output_dim), no activation
    h = gcn_conv(h, edge_index, W1, b1)
    return h

if __name__ == "__main__":
    import jax
    _d = setup_inputs()
    print(jax.jit(kernel)(*tuple(_d.values())))

</pallas_src>

<mosaic_0001>
#map = affine_map<(d0, d1) -> (0)>
#map1 = affine_map<(d0, d1) -> (0, 0, 0)>
module attributes {stable_mosaic.version = 14 : i64} {
  func.func @_deg_body(%arg0: i32, %arg1: i32, %arg2: memref<320000xi32, #tpu.memory_space<hbm>>, %arg3: memref<2x10240x128xf32, #tpu.memory_space<hbm>>, %arg4: memref<2x80xi32, #tpu.memory_space<vmem>>, %arg5: memref<80x16xf32, #tpu.memory_space<vmem>>, %arg6: memref<32x16xf32, #tpu.memory_space<vmem>>, %arg7: memref<32x128xf32, #tpu.memory_space<vmem>>, %arg8: memref<10240x16xf32, #tpu.memory_space<vmem_shared>>, %arg9: memref<!tpu.dma_semaphore, #tpu.memory_space<semaphore_mem>>) attributes {dimension_semantics = [#tpu.dimension_semantics<core_parallel>, #tpu.dimension_semantics<subcore_parallel>], iteration_bounds = array<i64: 2, 16>, scalar_prefetch = 0 : i64, scratch_operands = 6 : i64, tpu.core_type = #tpu.core_type<sc_vector_subcore>, window_params = [{transform_indices = #map}, {transform_indices = #map1}]} {
    %mul3A = arith.constant 2 : i32
    %mul3A_0 = arith.muli %arg1, %mul3A : i32
    %add3A = arith.addi %mul3A_0, %arg0 : i32
    %mul3A_1 = arith.constant 10000 : i32
    %mul3A_2 = arith.muli %add3A, %mul3A_1 : i32
    %mul3A_3 = arith.constant 640 : i32
    %mul3A_4 = arith.muli %arg1, %mul3A_3 : i32
    %scan3A = arith.constant 0 : i32
    %scan3A_5 = arith.constant 0 : i32
    %scan3A_6 = arith.constant 80 : i32
    %scan3A_7 = arith.addi %scan3A_5, %scan3A_6 : i32
    %scan3A_8 = arith.constant 1 : i32
    %scan3A_9 = scf.for %scan3A_45 = %scan3A_5 to %scan3A_7 step %scan3A_8 iter_args(%scan3A_46 = %scan3A) -> (i32)  : i32 {
      %broadcast_in_dim3A = arith.constant 1.000000e+00 : f32
      %broadcast_in_dim3A_47 = vector.broadcast %broadcast_in_dim3A : f32 to vector<16xf32>
      %swap3A = arith.index_cast %scan3A_45 : i32 to index
      %swap3A_48 = arith.constant 0 : index
      %swap3A_49 = tpu.vector_load %arg5[%swap3A, %swap3A_48] {strides = array<i32>} : memref<80x16xf32, #tpu.memory_space<vmem>>, vector<1x16xf32>,
      %swap3A_50 = vector.shape_cast %swap3A_49 : vector<1x16xf32> to vector<16xf32>
      %swap3A_51 = vector.shape_cast %broadcast_in_dim3A_47 : vector<16xf32> to vector<1x16xf32>
      tpu.vector_store %arg5[%swap3A, %swap3A_48], %swap3A_51 {strides = array<i32>} : memref<80x16xf32, #tpu.memory_space<vmem>>, vector<1x16xf32>,
      %scan3A_52 = arith.constant 0 : i32
      scf.yield %scan3A_52 : i32
    }
    %scan3A_10 = arith.constant 80 : i32
    %eq3A = arith.constant 0 : i32
    %eq3A_11 = arith.cmpi eq, %arg0, %eq3A : i32
    %convert_element_type3A = arith.extui %eq3A_11 : i1 to i32
    %cond3A = arith.constant 0 : i32
    %cond3A_12 = arith.cmpi ne, %convert_element_type3A, %cond3A : i32
    scf.if %cond3A_12 {
      %scan3A_45 = arith.constant 0 : i32
      %scan3A_46 = arith.constant 0 : i32
      %scan3A_47 = arith.constant 32 : i32
      %scan3A_48 = arith.addi %scan3A_46, %scan3A_47 : i32
      %scan3A_49 = arith.constant 1 : i32
      %scan3A_50 = scf.for %scan3A_52 = %scan3A_46 to %scan3A_48 step %scan3A_49 iter_args(%scan3A_53 = %scan3A_45) -> (i32)  : i32 {
        %broadcast_in_dim3A = arith.constant 1.000000e+00 : f32
        %broadcast_in_dim3A_54 = vector.broadcast %broadcast_in_dim3A : f32 to vector<16xf32>
        %swap3A = arith.index_cast %scan3A_52 : i32 to index
        %swap3A_55 = arith.constant 0 : index
        %swap3A_56 = tpu.vector_load %arg6[%swap3A, %swap3A_55] {strides = array<i32>} : memref<32x16xf32, #tpu.memory_space<vmem>>, vector<1x16xf32>,
        %swap3A_57 = vector.shape_cast %swap3A_56 : vector<1x16xf32> to vector<16xf32>
        %swap3A_58 = vector.shape_cast %broadcast_in_dim3A_54 : vector<16xf32> to vector<1x16xf32>
        tpu.vector_store %arg6[%swap3A, %swap3A_55], %swap3A_58 {strides = array<i32>} : memref<32x16xf32, #tpu.memory_space<vmem>>, vector<1x16xf32>,
        %scan3A_59 = arith.constant 0 : i32
        scf.yield %scan3A_59 : i32
      }
      %scan3A_51 = arith.constant 32 : i32
    } else {
    }
    %ne3A = arith.constant 0 : i32
    %ne3A_13 = arith.cmpi ne, %arg0, %ne3A : i32
    %convert_element_type3A_14 = arith.extui %ne3A_13 : i1 to i32
    %cond3A_15 = arith.constant 0 : i32
    %cond3A_16 = arith.cmpi ne, %convert_element_type3A_14, %cond3A_15 : i32
    scf.if %cond3A_16 {
      %scan3A_45 = arith.constant 0 : i32
      %scan3A_46 = arith.constant 0 : i32
      %scan3A_47 = arith.constant 32 : i32
      %scan3A_48 = arith.addi %scan3A_46, %scan3A_47 : i32
      %scan3A_49 = arith.constant 1 : i32
      %scan3A_50 = scf.for %scan3A_52 = %scan3A_46 to %scan3A_48 step %scan3A_49 iter_args(%scan3A_53 = %scan3A_45) -> (i32)  : i32 {
        %broadcast_in_dim3A = arith.constant 0.000000e+00 : f32
        %broadcast_in_dim3A_54 = vector.broadcast %broadcast_in_dim3A : f32 to vector<16xf32>
        %swap3A = arith.index_cast %scan3A_52 : i32 to index
        %swap3A_55 = arith.constant 0 : index
        %swap3A_56 = tpu.vector_load %arg6[%swap3A, %swap3A_55] {strides = array<i32>} : memref<32x16xf32, #tpu.memory_space<vmem>>, vector<1x16xf32>,
        %swap3A_57 = vector.shape_cast %swap3A_56 : vector<1x16xf32> to vector<16xf32>
        %swap3A_58 = vector.shape_cast %broadcast_in_dim3A_54 : vector<16xf32> to vector<1x16xf32>
        tpu.vector_store %arg6[%swap3A, %swap3A_55], %swap3A_58 {strides = array<i32>} : memref<32x16xf32, #tpu.memory_space<vmem>>, vector<1x16xf32>,
        %scan3A_59 = arith.constant 0 : i32
        scf.yield %scan3A_59 : i32
      }
      %scan3A_51 = arith.constant 32 : i32
    } else {
    }
    %scan3A_17 = arith.constant 0 : i32
    %scan3A_18 = arith.constant 0 : i32
    %scan3A_19 = arith.constant 20 : i32
    %scan3A_20 = arith.addi %scan3A_18, %scan3A_19 : i32
    %scan3A_21 = arith.constant 1 : i32
    %scan3A_22 = scf.for %scan3A_45 = %scan3A_18 to %scan3A_20 step %scan3A_21 iter_args(%scan3A_46 = %scan3A_17) -> (i32)  : i32 {
      %mul3A_47 = arith.constant 32 : i32
      %mul3A_48 = arith.muli %scan3A_45, %mul3A_47 : i32
      %add3A_49 = arith.addi %mul3A_4, %mul3A_48 : i32
      "tpu.region"() ({
        %run_scoped3A_51 = tpu.sem_alloc : memref<!tpu.dma_semaphore, #tpu.memory_space<semaphore_mem>>
        %dma_start3A = arith.constant 0 : i32
        %dma_start3A_52 = tpu.memref_slice %arg8[%add3A_49, %dma_start3A] : memref<10240x16xf32, #tpu.memory_space<vmem_shared>> -> memref<32x16xf32, #tpu.memory_space<vmem_shared>>
        %dma_start3A_53 = arith.constant 0 : i32
        %dma_start3A_54 = tpu.memref_slice %arg8[%add3A_49, %dma_start3A_53] : memref<10240x16xf32, #tpu.memory_space<vmem_shared>> -> memref<32x16xf32, #tpu.memory_space<vmem_shared>>
        tpu.enqueue_dma source(%arg6 : memref<32x16xf32, #tpu.memory_space<vmem>>) target(%dma_start3A_54 : memref<32x16xf32, #tpu.memory_space<vmem_shared>>) target_semaphore(%run_scoped3A_51 : memref<!tpu.dma_semaphore, #tpu.memory_space<semaphore_mem>>)
        %dma_wait3A_55 = arith.constant 0 : i32
        %dma_wait3A_56 = tpu.memref_slice %arg8[%add3A_49, %dma_wait3A_55] : memref<10240x16xf32, #tpu.memory_space<vmem_shared>> -> memref<32x16xf32, #tpu.memory_space<vmem_shared>>
        %dma_wait3A_57 = arith.constant 0 : i32
        %dma_wait3A_58 = tpu.memref_slice %arg8[%add3A_49, %dma_wait3A_57] : memref<10240x16xf32, #tpu.memory_space<vmem_shared>> -> memref<32x16xf32, #tpu.memory_space<vmem_shared>>
        tpu.wait_dma2 semaphore(%run_scoped3A_51 : memref<!tpu.dma_semaphore, #tpu.memory_space<semaphore_mem>>) src(%arg6 : memref<32x16xf32, #tpu.memory_space<vmem>>) dst(%dma_wait3A_58 : memref<32x16xf32, #tpu.memory_space<vmem_shared>>)
        tpu.yield
      }) : () -> ()
      %scan3A_50 = arith.constant 0 : i32
      scf.yield %scan3A_50 : i32
    }
    %scan3A_23 = arith.constant 20 : i32
    %barrier3A = arith.constant 0 : index
    tpu.barrier barrier_id(%barrier3A)
    %run_scoped3A = arith.constant 0 : i32
    "tpu.region"() ({
      %run_scoped3A_45 = tpu.sem_alloc : memref<!tpu.dma_semaphore, #tpu.memory_space<semaphore_mem>>
      %dma_start3A = arith.constant 0 : i32
      %dma_start3A_46 = tpu.memref_slice %arg4[%run_scoped3A, %dma_start3A] : memref<2x80xi32, #tpu.memory_space<vmem>> -> memref<1x80xi32, #tpu.memory_space<vmem>>
      %dma_start3A_47 = tpu.memref_squeeze %dma_start3A_46 : memref<1x80xi32, #tpu.memory_space<vmem>> -> memref<80xi32, #tpu.memory_space<vmem>>
      %dma_start3A_48 = tpu.memref_slice %arg2[%mul3A_2] : memref<320000xi32, #tpu.memory_space<hbm>> -> memref<80xi32, #tpu.memory_space<hbm>>
      %dma_start3A_49 = arith.constant 0 : i32
      %dma_start3A_50 = tpu.memref_slice %arg4[%run_scoped3A, %dma_start3A_49] : memref<2x80xi32, #tpu.memory_space<vmem>> -> memref<1x80xi32, #tpu.memory_space<vmem>>
      %dma_start3A_51 = tpu.memref_squeeze %dma_start3A_50 : memref<1x80xi32, #tpu.memory_space<vmem>> -> memref<80xi32, #tpu.memory_space<vmem>>
      %dma_start3A_52 = tpu.memref_slice %arg2[%mul3A_2] : memref<320000xi32, #tpu.memory_space<hbm>> -> memref<80xi32, #tpu.memory_space<hbm>>
      tpu.enqueue_dma source(%dma_start3A_52 : memref<80xi32, #tpu.memory_space<hbm>>) target(%dma_start3A_51 : memref<80xi32, #tpu.memory_space<vmem>>) target_semaphore(%run_scoped3A_45 : memref<!tpu.dma_semaphore, #tpu.memory_space<semaphore_mem>>)
      %dma_wait3A_53 = arith.constant 0 : i32
      %dma_wait3A_54 = tpu.memref_slice %arg4[%run_scoped3A, %dma_wait3A_53] : memref<2x80xi32, #tpu.memory_space<vmem>> -> memref<1x80xi32, #tpu.memory_space<vmem>>
      %dma_wait3A_55 = tpu.memref_squeeze %dma_wait3A_54 : memref<1x80xi32, #tpu.memory_space<vmem>> -> memref<80xi32, #tpu.memory_space<vmem>>
      %dma_wait3A_56 = tpu.memref_slice %arg2[%mul3A_2] : memref<320000xi32, #tpu.memory_space<hbm>> -> memref<80xi32, #tpu.memory_space<hbm>>
      %dma_wait3A_57 = arith.constant 0 : i32
      %dma_wait3A_58 = tpu.memref_slice %arg4[%run_scoped3A, %dma_wait3A_57] : memref<2x80xi32, #tpu.memory_space<vmem>> -> memref<1x80xi32, #tpu.memory_space<vmem>>
      %dma_wait3A_59 = tpu.memref_squeeze %dma_wait3A_58 : memref<1x80xi32, #tpu.memory_space<vmem>> -> memref<80xi32, #tpu.memory_space<vmem>>
      %dma_wait3A_60 = tpu.memref_slice %arg2[%mul3A_2] : memref<320000xi32, #tpu.memory_space<hbm>> -> memref<80xi32, #tpu.memory_space<hbm>>
      tpu.wait_dma2 semaphore(%run_scoped3A_45 : memref<!tpu.dma_semaphore, #tpu.memory_space<semaphore_mem>>) src(%dma_wait3A_60 : memref<80xi32, #tpu.memory_space<hbm>>) dst(%dma_wait3A_59 : memref<80xi32, #tpu.memory_space<vmem>>)
      tpu.yield
    }) : () -> ()
    %scan3A_24 = arith.constant 0 : i32
    %scan3A_25 = arith.constant 0 : i32
    %scan3A_26 = arith.constant 125 : i32
    %scan3A_27 = arith.addi %scan3A_25, %scan3A_26 : i32
    %scan3A_28 = arith.constant 1 : i32
    %scan3A_29 = scf.for %scan3A_45 = %scan3A_25 to %scan3A_27 step %scan3A_28 iter_args(%scan3A_46 = %scan3A_24) -> (i32)  : i32 {
      %rem3A = arith.constant 2 : i32
      %rem3A_47 = arith.remsi %scan3A_45, %rem3A : i32
      %add3A_48 = arith.constant 1 : i32
      %add3A_49 = arith.addi %scan3A_45, %add3A_48 : i32
      %rem3A_50 = arith.constant 2 : i32
      %rem3A_51 = arith.remsi %add3A_49, %rem3A_50 : i32
      %gt3A = arith.constant 0 : i32
      %gt3A_52 = arith.cmpi sgt, %scan3A_45, %gt3A : i32
      %convert_element_type3A_53 = arith.extui %gt3A_52 : i1 to i32
      %cond3A_54 = arith.constant 0 : i32
      %cond3A_55 = arith.cmpi ne, %convert_element_type3A_53, %cond3A_54 : i32
      scf.if %cond3A_55 {
        %dma_wait3A_66 = arith.constant 0 : i32
        %dma_wait3A_67 = tpu.memref_slice %arg4[%rem3A_51, %dma_wait3A_66] : memref<2x80xi32, #tpu.memory_space<vmem>> -> memref<1x80xi32, #tpu.memory_space<vmem>>
        %dma_wait3A_68 = tpu.memref_squeeze %dma_wait3A_67 : memref<1x80xi32, #tpu.memory_space<vmem>> -> memref<80xi32, #tpu.memory_space<vmem>>
        %dma_wait3A_69 = arith.constant 0 : i32
        %dma_wait3A_70 = arith.constant 0 : i32
        %dma_wait3A_71 = tpu.memref_slice %arg8[%dma_wait3A_69, %dma_wait3A_70] : memref<10240x16xf32, #tpu.memory_space<vmem_shared>> -> memref<10240x16xf32, #tpu.memory_space<vmem_shared>>
        tpu.wait_indirect_dma semaphore(%arg9 : memref<!tpu.dma_semaphore, #tpu.memory_space<semaphore_mem>>) src(%arg5 : memref<80x16xf32, #tpu.memory_space<vmem>>) dst(%dma_wait3A_71 : memref<10240x16xf32, #tpu.memory_space<vmem_shared>>)
      } else {
      }
      %lt3A = arith.constant 124 : i32
      %lt3A_56 = arith.cmpi slt, %scan3A_45, %lt3A : i32
      %convert_element_type3A_57 = arith.extui %lt3A_56 : i1 to i32
      %cond3A_58 = arith.constant 0 : i32
      %cond3A_59 = arith.cmpi ne, %convert_element_type3A_57, %cond3A_58 : i32
      scf.if %cond3A_59 {
        %add3A_66 = arith.constant 1 : i32
        %add3A_67 = arith.addi %scan3A_45, %add3A_66 : i32
        %mul3A_68 = arith.constant 80 : i32
        %mul3A_69 = arith.muli %add3A_67, %mul3A_68 : i32
        %add3A_70 = arith.addi %mul3A_2, %mul3A_69 : i32
        "tpu.region"() ({
          %run_scoped3A_71 = tpu.sem_alloc : memref<!tpu.dma_semaphore, #tpu.memory_space<semaphore_mem>>
          %dma_start3A_72 = arith.constant 0 : i32
          %dma_start3A_73 = tpu.memref_slice %arg4[%rem3A_51, %dma_start3A_72] : memref<2x80xi32, #tpu.memory_space<vmem>> -> memref<1x80xi32, #tpu.memory_space<vmem>>
          %dma_start3A_74 = tpu.memref_squeeze %dma_start3A_73 : memref<1x80xi32, #tpu.memory_space<vmem>> -> memref<80xi32, #tpu.memory_space<vmem>>
          %dma_start3A_75 = tpu.memref_slice %arg2[%add3A_70] : memref<320000xi32, #tpu.memory_space<hbm>> -> memref<80xi32, #tpu.memory_space<hbm>>
          %dma_start3A_76 = arith.constant 0 : i32
          %dma_start3A_77 = tpu.memref_slice %arg4[%rem3A_51, %dma_start3A_76] : memref<2x80xi32, #tpu.memory_space<vmem>> -> memref<1x80xi32, #tpu.memory_space<vmem>>
          %dma_start3A_78 = tpu.memref_squeeze %dma_start3A_77 : memref<1x80xi32, #tpu.memory_space<vmem>> -> memref<80xi32, #tpu.memory_space<vmem>>
          %dma_start3A_79 = tpu.memref_slice %arg2[%add3A_70] : memref<320000xi32, #tpu.memory_space<hbm>> -> memref<80xi32, #tpu.memory_space<hbm>>
          tpu.enqueue_dma source(%dma_start3A_79 : memref<80xi32, #tpu.memory_space<hbm>>) target(%dma_start3A_78 : memref<80xi32, #tpu.memory_space<vmem>>) target_semaphore(%run_scoped3A_71 : memref<!tpu.dma_semaphore, #tpu.memory_space<semaphore_mem>>)
          %dma_wait3A_80 = arith.constant 0 : i32
          %dma_wait3A_81 = tpu.memref_slice %arg4[%rem3A_51, %dma_wait3A_80] : memref<2x80xi32, #tpu.memory_space<vmem>> -> memref<1x80xi32, #tpu.memory_space<vmem>>
          %dma_wait3A_82 = tpu.memref_squeeze %dma_wait3A_81 : memref<1x80xi32, #tpu.memory_space<vmem>> -> memref<80xi32, #tpu.memory_space<vmem>>
          %dma_wait3A_83 = tpu.memref_slice %arg2[%add3A_70] : memref<320000xi32, #tpu.memory_space<hbm>> -> memref<80xi32, #tpu.memory_space<hbm>>
          %dma_wait3A_84 = arith.constant 0 : i32
          %dma_wait3A_85 = tpu.memref_slice %arg4[%rem3A_51, %dma_wait3A_84] : memref<2x80xi32, #tpu.memory_space<vmem>> -> memref<1x80xi32, #tpu.memory_space<vmem>>
          %dma_wait3A_86 = tpu.memref_squeeze %dma_wait3A_85 : memref<1x80xi32, #tpu.memory_space<vmem>> -> memref<80xi32, #tpu.memory_space<vmem>>
          %dma_wait3A_87 = tpu.memref_slice %arg2[%add3A_70] : memref<320000xi32, #tpu.memory_space<hbm>> -> memref<80xi32, #tpu.memory_space<hbm>>
          tpu.wait_dma2 semaphore(%run_scoped3A_71 : memref<!tpu.dma_semaphore, #tpu.memory_space<semaphore_mem>>) src(%dma_wait3A_87 : memref<80xi32, #tpu.memory_space<hbm>>) dst(%dma_wait3A_86 : memref<80xi32, #tpu.memory_space<vmem>>)
          tpu.yield
        }) : () -> ()
      } else {
      }
      %dma_start3A = arith.constant 0 : i32
      %dma_start3A_60 = tpu.memref_slice %arg4[%rem3A_47, %dma_start3A] : memref<2x80xi32, #tpu.memory_space<vmem>> -> memref<1x80xi32, #tpu.memory_space<vmem>>
      %dma_start3A_61 = tpu.memref_squeeze %dma_start3A_60 : memref<1x80xi32, #tpu.memory_space<vmem>> -> memref<80xi32, #tpu.memory_space<vmem>>
      %dma_start3A_62 = arith.constant 0 : i32
      %dma_start3A_63 = arith.constant 0 : i32
      %dma_start3A_64 = tpu.memref_slice %arg8[%dma_start3A_62, %dma_start3A_63] : memref<10240x16xf32, #tpu.memory_space<vmem_shared>> -> memref<10240x16xf32, #tpu.memory_space<vmem_shared>>
      tpu.enqueue_indirect_dma source(%arg5 : memref<80x16xf32, #tpu.memory_space<vmem>>) target(%dma_start3A_64 : memref<10240x16xf32, #tpu.memory_space<vmem_shared>>) offsets(%dma_start3A_61 : memref<80xi32, #tpu.memory_space<vmem>>) semaphore(%arg9 : memref<!tpu.dma_semaphore, #tpu.memory_space<semaphore_mem>>) {add = true}
      %scan3A_65 = arith.constant 0 : i32
      scf.yield %scan3A_65 : i32
    }
    %scan3A_30 = arith.constant 125 : i32
    %dma_wait3A = arith.constant 0 : i32
    %dma_wait3A_31 = arith.constant 0 : i32
    %dma_wait3A_32 = tpu.memref_slice %arg4[%dma_wait3A, %dma_wait3A_31] : memref<2x80xi32, #tpu.memory_space<vmem>> -> memref<1x80xi32, #tpu.memory_space<vmem>>
    %dma_wait3A_33 = tpu.memref_squeeze %dma_wait3A_32 : memref<1x80xi32, #tpu.memory_space<vmem>> -> memref<80xi32, #tpu.memory_space<vmem>>
    %dma_wait3A_34 = arith.constant 0 : i32
    %dma_wait3A_35 = arith.constant 0 : i32
    %dma_wait3A_36 = tpu.memref_slice %arg8[%dma_wait3A_34, %dma_wait3A_35] : memref<10240x16xf32, #tpu.memory_space<vmem_shared>> -> memref<10240x16xf32, #tpu.memory_space<vmem_shared>>
    tpu.wait_indirect_dma semaphore(%arg9 : memref<!tpu.dma_semaphore, #tpu.memory_space<semaphore_mem>>) src(%arg5 : memref<80x16xf32, #tpu.memory_space<vmem>>) dst(%dma_wait3A_36 : memref<10240x16xf32, #tpu.memory_space<vmem_shared>>)
    %barrier3A_37 = arith.constant 0 : index
    tpu.barrier barrier_id(%barrier3A_37)
    %scan3A_38 = arith.constant 0 : i32
    %scan3A_39 = arith.constant 0 : i32
    %scan3A_40 = arith.constant 20 : i32
    %scan3A_41 = arith.addi %scan3A_39, %scan3A_40 : i32
    %scan3A_42 = arith.constant 1 : i32
    %scan3A_43 = scf.for %scan3A_45 = %scan3A_39 to %scan3A_41 step %scan3A_42 iter_args(%scan3A_46 = %scan3A_38) -> (i32)  : i32 {
      %mul3A_47 = arith.constant 32 : i32
      %mul3A_48 = arith.muli %scan3A_45, %mul3A_47 : i32
      %add3A_49 = arith.addi %mul3A_4, %mul3A_48 : i32
      "tpu.region"() ({
        %run_scoped3A_61 = tpu.sem_alloc : memref<!tpu.dma_semaphore, #tpu.memory_space<semaphore_mem>>
        %dma_start3A = arith.constant 0 : i32
        %dma_start3A_62 = tpu.memref_slice %arg8[%add3A_49, %dma_start3A] : memref<10240x16xf32, #tpu.memory_space<vmem_shared>> -> memref<32x16xf32, #tpu.memory_space<vmem_shared>>
        %dma_start3A_63 = arith.constant 0 : i32
        %dma_start3A_64 = tpu.memref_slice %arg8[%add3A_49, %dma_start3A_63] : memref<10240x16xf32, #tpu.memory_space<vmem_shared>> -> memref<32x16xf32, #tpu.memory_space<vmem_shared>>
        tpu.enqueue_dma source(%dma_start3A_64 : memref<32x16xf32, #tpu.memory_space<vmem_shared>>) target(%arg6 : memref<32x16xf32, #tpu.memory_space<vmem>>) target_semaphore(%run_scoped3A_61 : memref<!tpu.dma_semaphore, #tpu.memory_space<semaphore_mem>>)
        %dma_wait3A_65 = arith.constant 0 : i32
        %dma_wait3A_66 = tpu.memref_slice %arg8[%add3A_49, %dma_wait3A_65] : memref<10240x16xf32, #tpu.memory_space<vmem_shared>> -> memref<32x16xf32, #tpu.memory_space<vmem_shared>>
        %dma_wait3A_67 = arith.constant 0 : i32
        %dma_wait3A_68 = tpu.memref_slice %arg8[%add3A_49, %dma_wait3A_67] : memref<10240x16xf32, #tpu.memory_space<vmem_shared>> -> memref<32x16xf32, #tpu.memory_space<vmem_shared>>
        tpu.wait_dma2 semaphore(%run_scoped3A_61 : memref<!tpu.dma_semaphore, #tpu.memory_space<semaphore_mem>>) src(%dma_wait3A_68 : memref<32x16xf32, #tpu.memory_space<vmem_shared>>) dst(%arg6 : memref<32x16xf32, #tpu.memory_space<vmem>>)
        tpu.yield
      }) : () -> ()
      %scan3A_50 = arith.constant 0 : i32
      %scan3A_51 = arith.constant 0 : i32
      %scan3A_52 = arith.constant 32 : i32
      %scan3A_53 = arith.addi %scan3A_51, %scan3A_52 : i32
      %scan3A_54 = arith.constant 1 : i32
      %scan3A_55 = scf.for %scan3A_61 = %scan3A_51 to %scan3A_53 step %scan3A_54 iter_args(%scan3A_62 = %scan3A_50) -> (i32)  : i32 {
        %get3A = arith.index_cast %scan3A_61 : i32 to index
        %get3A_63 = arith.constant 0 : index
        %get3A_64 = tpu.vector_load %arg6[%get3A, %get3A_63] {strides = array<i32>} : memref<32x16xf32, #tpu.memory_space<vmem>>, vector<1x16xf32>,
        %get3A_65 = vector.shape_cast %get3A_64 : vector<1x16xf32> to vector<16xf32>
        %swap3A = arith.index_cast %scan3A_61 : i32 to index
        %swap3A_66 = arith.constant 0 : index
        %swap3A_67 = tpu.vector_load %arg7[%swap3A, %swap3A_66] {strides = array<i32>} : memref<32x128xf32, #tpu.memory_space<vmem>>, vector<1x16xf32>,
        %swap3A_68 = vector.shape_cast %swap3A_67 : vector<1x16xf32> to vector<16xf32>
        %swap3A_69 = vector.shape_cast %get3A_65 : vector<16xf32> to vector<1x16xf32>
        tpu.vector_store %arg7[%swap3A, %swap3A_66], %swap3A_69 {strides = array<i32>} : memref<32x128xf32, #tpu.memory_space<vmem>>, vector<1x16xf32>,
        %swap3A_70 = arith.index_cast %scan3A_61 : i32 to index
        %swap3A_71 = arith.constant 16 : index
        %swap3A_72 = tpu.vector_load %arg7[%swap3A_70, %swap3A_71] {strides = array<i32>} : memref<32x128xf32, #tpu.memory_space<vmem>>, vector<1x16xf32>,
        %swap3A_73 = vector.shape_cast %swap3A_72 : vector<1x16xf32> to vector<16xf32>
        %swap3A_74 = vector.shape_cast %get3A_65 : vector<16xf32> to vector<1x16xf32>
        tpu.vector_store %arg7[%swap3A_70, %swap3A_71], %swap3A_74 {strides = array<i32>} : memref<32x128xf32, #tpu.memory_space<vmem>>, vector<1x16xf32>,
        %swap3A_75 = arith.index_cast %scan3A_61 : i32 to index
        %swap3A_76 = arith.constant 32 : index
        %swap3A_77 = tpu.vector_load %arg7[%swap3A_75, %swap3A_76] {strides = array<i32>} : memref<32x128xf32, #tpu.memory_space<vmem>>, vector<1x16xf32>,
        %swap3A_78 = vector.shape_cast %swap3A_77 : vector<1x16xf32> to vector<16xf32>
        %swap3A_79 = vector.shape_cast %get3A_65 : vector<16xf32> to vector<1x16xf32>
        tpu.vector_store %arg7[%swap3A_75, %swap3A_76], %swap3A_79 {strides = array<i32>} : memref<32x128xf32, #tpu.memory_space<vmem>>, vector<1x16xf32>,
        %swap3A_80 = arith.index_cast %scan3A_61 : i32 to index
        %swap3A_81 = arith.constant 48 : index
        %swap3A_82 = tpu.vector_load %arg7[%swap3A_80, %swap3A_81] {strides = array<i32>} : memref<32x128xf32, #tpu.memory_space<vmem>>, vector<1x16xf32>,
        %swap3A_83 = vector.shape_cast %swap3A_82 : vector<1x16xf32> to vector<16xf32>
        %swap3A_84 = vector.shape_cast %get3A_65 : vector<16xf32> to vector<1x16xf32>
        tpu.vector_store %arg7[%swap3A_80, %swap3A_81], %swap3A_84 {strides = array<i32>} : memref<32x128xf32, #tpu.memory_space<vmem>>, vector<1x16xf32>,
        %swap3A_85 = arith.index_cast %scan3A_61 : i32 to index
        %swap3A_86 = arith.constant 64 : index
        %swap3A_87 = tpu.vector_load %arg7[%swap3A_85, %swap3A_86] {strides = array<i32>} : memref<32x128xf32, #tpu.memory_space<vmem>>, vector<1x16xf32>,
        %swap3A_88 = vector.shape_cast %swap3A_87 : vector<1x16xf32> to vector<16xf32>
        %swap3A_89 = vector.shape_cast %get3A_65 : vector<16xf32> to vector<1x16xf32>
        tpu.vector_store %arg7[%swap3A_85, %swap3A_86], %swap3A_89 {strides = array<i32>} : memref<32x128xf32, #tpu.memory_space<vmem>>, vector<1x16xf32>,
        %swap3A_90 = arith.index_cast %scan3A_61 : i32 to index
        %swap3A_91 = arith.constant 80 : index
        %swap3A_92 = tpu.vector_load %arg7[%swap3A_90, %swap3A_91] {strides = array<i32>} : memref<32x128xf32, #tpu.memory_space<vmem>>, vector<1x16xf32>,
        %swap3A_93 = vector.shape_cast %swap3A_92 : vector<1x16xf32> to vector<16xf32>
        %swap3A_94 = vector.shape_cast %get3A_65 : vector<16xf32> to vector<1x16xf32>
        tpu.vector_store %arg7[%swap3A_90, %swap3A_91], %swap3A_94 {strides = array<i32>} : memref<32x128xf32, #tpu.memory_space<vmem>>, vector<1x16xf32>,
        %swap3A_95 = arith.index_cast %scan3A_61 : i32 to index
        %swap3A_96 = arith.constant 96 : index
        %swap3A_97 = tpu.vector_load %arg7[%swap3A_95, %swap3A_96] {strides = array<i32>} : memref<32x128xf32, #tpu.memory_space<vmem>>, vector<1x16xf32>,
        %swap3A_98 = vector.shape_cast %swap3A_97 : vector<1x16xf32> to vector<16xf32>
        %swap3A_99 = vector.shape_cast %get3A_65 : vector<16xf32> to vector<1x16xf32>
        tpu.vector_store %arg7[%swap3A_95, %swap3A_96], %swap3A_99 {strides = array<i32>} : memref<32x128xf32, #tpu.memory_space<vmem>>, vector<1x16xf32>,
        %swap3A_100 = arith.index_cast %scan3A_61 : i32 to index
        %swap3A_101 = arith.constant 112 : index
        %swap3A_102 = tpu.vector_load %arg7[%swap3A_100, %swap3A_101] {strides = array<i32>} : memref<32x128xf32, #tpu.memory_space<vmem>>, vector<1x16xf32>,
        %swap3A_103 = vector.shape_cast %swap3A_102 : vector<1x16xf32> to vector<16xf32>
        %swap3A_104 = vector.shape_cast %get3A_65 : vector<16xf32> to vector<1x16xf32>
        tpu.vector_store %arg7[%swap3A_100, %swap3A_101], %swap3A_104 {strides = array<i32>} : memref<32x128xf32, #tpu.memory_space<vmem>>, vector<1x16xf32>,
        %scan3A_105 = arith.constant 0 : i32
        scf.yield %scan3A_105 : i32
      }
      %scan3A_56 = arith.constant 32 : i32
      %mul3A_57 = arith.constant 32 : i32
      %mul3A_58 = arith.muli %scan3A_45, %mul3A_57 : i32
      %add3A_59 = arith.addi %mul3A_4, %mul3A_58 : i32
      "tpu.region"() ({
        %run_scoped3A_61 = tpu.sem_alloc : memref<!tpu.dma_semaphore, #tpu.memory_space<semaphore_mem>>
        %dma_start3A = arith.constant 0 : i32
        %dma_start3A_62 = tpu.memref_slice %arg3[%arg0, %add3A_59, %dma_start3A] : memref<2x10240x128xf32, #tpu.memory_space<hbm>> -> memref<1x32x128xf32, #tpu.memory_space<hbm>>
        %dma_start3A_63 = tpu.memref_squeeze %dma_start3A_62 : memref<1x32x128xf32, #tpu.memory_space<hbm>> -> memref<32x128xf32, #tpu.memory_space<hbm>>
        %dma_start3A_64 = arith.constant 0 : i32
        %dma_start3A_65 = tpu.memref_slice %arg3[%arg0, %add3A_59, %dma_start3A_64] : memref<2x10240x128xf32, #tpu.memory_space<hbm>> -> memref<1x32x128xf32, #tpu.memory_space<hbm>>
        %dma_start3A_66 = tpu.memref_squeeze %dma_start3A_65 : memref<1x32x128xf32, #tpu.memory_space<hbm>> -> memref<32x128xf32, #tpu.memory_space<hbm>>
        tpu.enqueue_dma source(%arg7 : memref<32x128xf32, #tpu.memory_space<vmem>>) target(%dma_start3A_66 : memref<32x128xf32, #tpu.memory_space<hbm>>) target_semaphore(%run_scoped3A_61 : memref<!tpu.dma_semaphore, #tpu.memory_space<semaphore_mem>>)
        %dma_wait3A_67 = arith.constant 0 : i32
        %dma_wait3A_68 = tpu.memref_slice %arg3[%arg0, %add3A_59, %dma_wait3A_67] : memref<2x10240x128xf32, #tpu.memory_space<hbm>> -> memref<1x32x128xf32, #tpu.memory_space<hbm>>
        %dma_wait3A_69 = tpu.memref_squeeze %dma_wait3A_68 : memref<1x32x128xf32, #tpu.memory_space<hbm>> -> memref<32x128xf32, #tpu.memory_space<hbm>>
        %dma_wait3A_70 = arith.constant 0 : i32
        %dma_wait3A_71 = tpu.memref_slice %arg3[%arg0, %add3A_59, %dma_wait3A_70] : memref<2x10240x128xf32, #tpu.memory_space<hbm>> -> memref<1x32x128xf32, #tpu.memory_space<hbm>>
        %dma_wait3A_72 = tpu.memref_squeeze %dma_wait3A_71 : memref<1x32x128xf32, #tpu.memory_space<hbm>> -> memref<32x128xf32, #tpu.memory_space<hbm>>
        tpu.wait_dma2 semaphore(%run_scoped3A_61 : memref<!tpu.dma_semaphore, #tpu.memory_space<semaphore_mem>>) src(%arg7 : memref<32x128xf32, #tpu.memory_space<vmem>>) dst(%dma_wait3A_72 : memref<32x128xf32, #tpu.memory_space<hbm>>)
        tpu.yield
      }) : () -> ()
      %scan3A_60 = arith.constant 0 : i32
      scf.yield %scan3A_60 : i32
    }
    %scan3A_44 = arith.constant 20 : i32
    return
  }
}

#map = affine_map<(d0, d1) -> (0, 0)>
#map1 = affine_map<(d0, d1) -> (0)>
#map2 = affine_map<(d0, d1) -> (0, 0, 0)>
module attributes {stable_mosaic.version = 14 : i64} {
  func.func @_agg_body(%arg0: i32, %arg1: i32, %arg2: memref<10240x128xf32, #tpu.memory_space<hbm>>, %arg3: memref<320000xi32, #tpu.memory_space<hbm>>, %arg4: memref<320000xi32, #tpu.memory_space<hbm>>, %arg5: memref<32x128xf32, #tpu.memory_space<hbm>>, %arg6: memref<2x10240x128xf32, #tpu.memory_space<hbm>>, %arg7: memref<3x80xi32, #tpu.memory_space<vmem>>, %arg8: memref<3x80xi32, #tpu.memory_space<vmem>>, %arg9: memref<3x80x128xf32, #tpu.memory_space<vmem>>, %arg10: memref<10240x128xf32, #tpu.memory_space<vmem_shared>>, %arg11: memref<!tpu.dma_semaphore, #tpu.memory_space<semaphore_mem>>, %arg12: memref<!tpu.dma_semaphore, #tpu.memory_space<semaphore_mem>>) attributes {dimension_semantics = [#tpu.dimension_semantics<core_parallel>, #tpu.dimension_semantics<subcore_parallel>], iteration_bounds = array<i64: 2, 16>, scalar_prefetch = 0 : i64, scratch_operands = 6 : i64, tpu.core_type = #tpu.core_type<sc_vector_subcore>, window_params = [{transform_indices = #map}, {transform_indices = #map1}, {transform_indices = #map1}, {transform_indices = #map}, {transform_indices = #map2}]} {
    %mul3A = arith.constant 2 : i32
    %mul3A_0 = arith.muli %arg1, %mul3A : i32
    %add3A = arith.addi %mul3A_0, %arg0 : i32
    %mul3A_1 = arith.constant 10000 : i32
    %mul3A_2 = arith.muli %add3A, %mul3A_1 : i32
    %mul3A_3 = arith.constant 640 : i32
    %mul3A_4 = arith.muli %arg1, %mul3A_3 : i32
    %eq3A = arith.constant 0 : i32
    %eq3A_5 = arith.cmpi eq, %arg0, %eq3A : i32
    %convert_element_type3A = arith.extui %eq3A_5 : i1 to i32
    %cond3A = arith.constant 0 : i32
    %cond3A_6 = arith.cmpi ne, %convert_element_type3A, %cond3A : i32
    scf.if %cond3A_6 {
      "tpu.region"() ({
        %run_scoped3A_53 = tpu.sem_alloc : memref<!tpu.dma_semaphore, #tpu.memory_space<semaphore_mem>>
        %dma_start3A_54 = arith.constant 0 : i32
        %dma_start3A_55 = tpu.memref_slice %arg10[%mul3A_4, %dma_start3A_54] : memref<10240x128xf32, #tpu.memory_space<vmem_shared>> -> memref<640x128xf32, #tpu.memory_space<vmem_shared>>
        %dma_start3A_56 = arith.constant 0 : i32
        %dma_start3A_57 = tpu.memref_slice %arg2[%mul3A_4, %dma_start3A_56] : memref<10240x128xf32, #tpu.memory_space<hbm>> -> memref<640x128xf32, #tpu.memory_space<hbm>>
        tpu.enqueue_dma source(%dma_start3A_57 : memref<640x128xf32, #tpu.memory_space<hbm>>) target(%dma_start3A_55 : memref<640x128xf32, #tpu.memory_space<vmem_shared>>) target_semaphore(%run_scoped3A_53 : memref<!tpu.dma_semaphore, #tpu.memory_space<semaphore_mem>>)
        %dma_wait3A_58 = arith.constant 0 : i32
        %dma_wait3A_59 = tpu.memref_slice %arg10[%mul3A_4, %dma_wait3A_58] : memref<10240x128xf32, #tpu.memory_space<vmem_shared>> -> memref<640x128xf32, #tpu.memory_space<vmem_shared>>
        %dma_wait3A_60 = arith.constant 0 : i32
        %dma_wait3A_61 = tpu.memref_slice %arg2[%mul3A_4, %dma_wait3A_60] : memref<10240x128xf32, #tpu.memory_space<hbm>> -> memref<640x128xf32, #tpu.memory_space<hbm>>
        tpu.wait_dma2 semaphore(%run_scoped3A_53 : memref<!tpu.dma_semaphore, #tpu.memory_space<semaphore_mem>>) src(%dma_wait3A_61 : memref<640x128xf32, #tpu.memory_space<hbm>>) dst(%dma_wait3A_59 : memref<640x128xf32, #tpu.memory_space<vmem_shared>>)
        tpu.yield
      }) : () -> ()
    } else {
    }
    %ne3A = arith.constant 0 : i32
    %ne3A_7 = arith.cmpi ne, %arg0, %ne3A : i32
    %convert_element_type3A_8 = arith.extui %ne3A_7 : i1 to i32
    %cond3A_9 = arith.constant 0 : i32
    %cond3A_10 = arith.cmpi ne, %convert_element_type3A_8, %cond3A_9 : i32
    scf.if %cond3A_10 {
      %scan3A_53 = arith.constant 0 : i32
      %scan3A_54 = arith.constant 0 : i32
      %scan3A_55 = arith.constant 20 : i32
      %scan3A_56 = arith.addi %scan3A_54, %scan3A_55 : i32
      %scan3A_57 = arith.constant 1 : i32
      %scan3A_58 = scf.for %scan3A_60 = %scan3A_54 to %scan3A_56 step %scan3A_57 iter_args(%scan3A_61 = %scan3A_53) -> (i32)  : i32 {
        %mul3A_62 = arith.constant 32 : i32
        %mul3A_63 = arith.muli %scan3A_60, %mul3A_62 : i32
        %add3A_64 = arith.addi %mul3A_4, %mul3A_63 : i32
        "tpu.region"() ({
          %run_scoped3A_66 = tpu.sem_alloc : memref<!tpu.dma_semaphore, #tpu.memory_space<semaphore_mem>>
          %dma_start3A_67 = arith.constant 0 : i32
          %dma_start3A_68 = tpu.memref_slice %arg10[%add3A_64, %dma_start3A_67] : memref<10240x128xf32, #tpu.memory_space<vmem_shared>> -> memref<32x128xf32, #tpu.memory_space<vmem_shared>>
          tpu.enqueue_dma source(%arg5 : memref<32x128xf32, #tpu.memory_space<hbm>>) target(%dma_start3A_68 : memref<32x128xf32, #tpu.memory_space<vmem_shared>>) target_semaphore(%run_scoped3A_66 : memref<!tpu.dma_semaphore, #tpu.memory_space<semaphore_mem>>)
          %dma_wait3A_69 = arith.constant 0 : i32
          %dma_wait3A_70 = tpu.memref_slice %arg10[%add3A_64, %dma_wait3A_69] : memref<10240x128xf32, #tpu.memory_space<vmem_shared>> -> memref<32x128xf32, #tpu.memory_space<vmem_shared>>
          tpu.wait_dma2 semaphore(%run_scoped3A_66 : memref<!tpu.dma_semaphore, #tpu.memory_space<semaphore_mem>>) src(%arg5 : memref<32x128xf32, #tpu.memory_space<hbm>>) dst(%dma_wait3A_70 : memref<32x128xf32, #tpu.memory_space<vmem_shared>>)
          tpu.yield
        }) : () -> ()
        %scan3A_65 = arith.constant 0 : i32
        scf.yield %scan3A_65 : i32
      }
      %scan3A_59 = arith.constant 20 : i32
    } else {
    }
    %barrier3A = arith.constant 0 : index
    tpu.barrier barrier_id(%barrier3A)
    %run_scoped3A = arith.constant 0 : i32
    "tpu.region"() ({
      %run_scoped3A_53 = tpu.sem_alloc : memref<!tpu.dma_semaphore, #tpu.memory_space<semaphore_mem>>
      %dma_start3A_54 = arith.constant 0 : i32
      %dma_start3A_55 = tpu.memref_slice %arg7[%run_scoped3A, %dma_start3A_54] : memref<3x80xi32, #tpu.memory_space<vmem>> -> memref<1x80xi32, #tpu.memory_space<vmem>>
      %dma_start3A_56 = tpu.memref_squeeze %dma_start3A_55 : memref<1x80xi32, #tpu.memory_space<vmem>> -> memref<80xi32, #tpu.memory_space<vmem>>
      %dma_start3A_57 = tpu.memref_slice %arg3[%mul3A_2] : memref<320000xi32, #tpu.memory_space<hbm>> -> memref<80xi32, #tpu.memory_space<hbm>>
      %dma_start3A_58 = arith.constant 0 : i32
      %dma_start3A_59 = tpu.memref_slice %arg7[%run_scoped3A, %dma_start3A_58] : memref<3x80xi32, #tpu.memory_space<vmem>> -> memref<1x80xi32, #tpu.memory_space<vmem>>
      %dma_start3A_60 = tpu.memref_squeeze %dma_start3A_59 : memref<1x80xi32, #tpu.memory_space<vmem>> -> memref<80xi32, #tpu.memory_space<vmem>>
      %dma_start3A_61 = tpu.memref_slice %arg3[%mul3A_2] : memref<320000xi32, #tpu.memory_space<hbm>> -> memref<80xi32, #tpu.memory_space<hbm>>
      tpu.enqueue_dma source(%dma_start3A_61 : memref<80xi32, #tpu.memory_space<hbm>>) target(%dma_start3A_60 : memref<80xi32, #tpu.memory_space<vmem>>) target_semaphore(%run_scoped3A_53 : memref<!tpu.dma_semaphore, #tpu.memory_space<semaphore_mem>>)
      %dma_wait3A_62 = arith.constant 0 : i32
      %dma_wait3A_63 = tpu.memref_slice %arg7[%run_scoped3A, %dma_wait3A_62] : memref<3x80xi32, #tpu.memory_space<vmem>> -> memref<1x80xi32, #tpu.memory_space<vmem>>
      %dma_wait3A_64 = tpu.memref_squeeze %dma_wait3A_63 : memref<1x80xi32, #tpu.memory_space<vmem>> -> memref<80xi32, #tpu.memory_space<vmem>>
      %dma_wait3A_65 = tpu.memref_slice %arg3[%mul3A_2] : memref<320000xi32, #tpu.memory_space<hbm>> -> memref<80xi32, #tpu.memory_space<hbm>>
      %dma_wait3A_66 = arith.constant 0 : i32
      %dma_wait3A_67 = tpu.memref_slice %arg7[%run_scoped3A, %dma_wait3A_66] : memref<3x80xi32, #tpu.memory_space<vmem>> -> memref<1x80xi32, #tpu.memory_space<vmem>>
      %dma_wait3A_68 = tpu.memref_squeeze %dma_wait3A_67 : memref<1x80xi32, #tpu.memory_space<vmem>> -> memref<80xi32, #tpu.memory_space<vmem>>
      %dma_wait3A_69 = tpu.memref_slice %arg3[%mul3A_2] : memref<320000xi32, #tpu.memory_space<hbm>> -> memref<80xi32, #tpu.memory_space<hbm>>
      tpu.wait_dma2 semaphore(%run_scoped3A_53 : memref<!tpu.dma_semaphore, #tpu.memory_space<semaphore_mem>>) src(%dma_wait3A_69 : memref<80xi32, #tpu.memory_space<hbm>>) dst(%dma_wait3A_68 : memref<80xi32, #tpu.memory_space<vmem>>)
      tpu.yield
    }) : () -> ()
    %run_scoped3A_11 = arith.constant 0 : i32
    "tpu.region"() ({
      %run_scoped3A_53 = tpu.sem_alloc : memref<!tpu.dma_semaphore, #tpu.memory_space<semaphore_mem>>
      %dma_start3A_54 = arith.constant 0 : i32
      %dma_start3A_55 = tpu.memref_slice %arg8[%run_scoped3A_11, %dma_start3A_54] : memref<3x80xi32, #tpu.memory_space<vmem>> -> memref<1x80xi32, #tpu.memory_space<vmem>>
      %dma_start3A_56 = tpu.memref_squeeze %dma_start3A_55 : memref<1x80xi32, #tpu.memory_space<vmem>> -> memref<80xi32, #tpu.memory_space<vmem>>
      %dma_start3A_57 = tpu.memref_slice %arg4[%mul3A_2] : memref<320000xi32, #tpu.memory_space<hbm>> -> memref<80xi32, #tpu.memory_space<hbm>>
      %dma_start3A_58 = arith.constant 0 : i32
      %dma_start3A_59 = tpu.memref_slice %arg8[%run_scoped3A_11, %dma_start3A_58] : memref<3x80xi32, #tpu.memory_space<vmem>> -> memref<1x80xi32, #tpu.memory_space<vmem>>
      %dma_start3A_60 = tpu.memref_squeeze %dma_start3A_59 : memref<1x80xi32, #tpu.memory_space<vmem>> -> memref<80xi32, #tpu.memory_space<vmem>>
      %dma_start3A_61 = tpu.memref_slice %arg4[%mul3A_2] : memref<320000xi32, #tpu.memory_space<hbm>> -> memref<80xi32, #tpu.memory_space<hbm>>
      tpu.enqueue_dma source(%dma_start3A_61 : memref<80xi32, #tpu.memory_space<hbm>>) target(%dma_start3A_60 : memref<80xi32, #tpu.memory_space<vmem>>) target_semaphore(%run_scoped3A_53 : memref<!tpu.dma_semaphore, #tpu.memory_space<semaphore_mem>>)
      %dma_wait3A_62 = arith.constant 0 : i32
      %dma_wait3A_63 = tpu.memref_slice %arg8[%run_scoped3A_11, %dma_wait3A_62] : memref<3x80xi32, #tpu.memory_space<vmem>> -> memref<1x80xi32, #tpu.memory_space<vmem>>
      %dma_wait3A_64 = tpu.memref_squeeze %dma_wait3A_63 : memref<1x80xi32, #tpu.memory_space<vmem>> -> memref<80xi32, #tpu.memory_space<vmem>>
      %dma_wait3A_65 = tpu.memref_slice %arg4[%mul3A_2] : memref<320000xi32, #tpu.memory_space<hbm>> -> memref<80xi32, #tpu.memory_space<hbm>>
      %dma_wait3A_66 = arith.constant 0 : i32
      %dma_wait3A_67 = tpu.memref_slice %arg8[%run_scoped3A_11, %dma_wait3A_66] : memref<3x80xi32, #tpu.memory_space<vmem>> -> memref<1x80xi32, #tpu.memory_space<vmem>>
      %dma_wait3A_68 = tpu.memref_squeeze %dma_wait3A_67 : memref<1x80xi32, #tpu.memory_space<vmem>> -> memref<80xi32, #tpu.memory_space<vmem>>
      %dma_wait3A_69 = tpu.memref_slice %arg4[%mul3A_2] : memref<320000xi32, #tpu.memory_space<hbm>> -> memref<80xi32, #tpu.memory_space<hbm>>
      tpu.wait_dma2 semaphore(%run_scoped3A_53 : memref<!tpu.dma_semaphore, #tpu.memory_space<semaphore_mem>>) src(%dma_wait3A_69 : memref<80xi32, #tpu.memory_space<hbm>>) dst(%dma_wait3A_68 : memref<80xi32, #tpu.memory_space<vmem>>)
      tpu.yield
    }) : () -> ()
    %dma_start3A = arith.constant 0 : i32
    %dma_start3A_12 = arith.constant 0 : i32
    %dma_start3A_13 = arith.constant 0 : i32
    %dma_start3A_14 = arith.constant 0 : i32
    %dma_start3A_15 = tpu.memref_slice %arg9[%dma_start3A_12, %dma_start3A_13, %dma_start3A_14] : memref<3x80x128xf32, #tpu.memory_space<vmem>> -> memref<1x80x128xf32, #tpu.memory_space<vmem>>
    %dma_start3A_16 = tpu.memref_squeeze %dma_start3A_15 : memref<1x80x128xf32, #tpu.memory_space<vmem>> -> memref<80x128xf32, #tpu.memory_space<vmem>>
    %dma_start3A_17 = arith.constant 0 : i32
    %dma_start3A_18 = tpu.memref_slice %arg7[%dma_start3A, %dma_start3A_17] : memref<3x80xi32, #tpu.memory_space<vmem>> -> memref<1x80xi32, #tpu.memory_space<vmem>>
    %dma_start3A_19 = tpu.memref_squeeze %dma_start3A_18 : memref<1x80xi32, #tpu.memory_space<vmem>> -> memref<80xi32, #tpu.memory_space<vmem>>
    %dma_start3A_20 = arith.constant 0 : i32
    %dma_start3A_21 = arith.constant 0 : i32
    %dma_start3A_22 = tpu.memref_slice %arg2[%dma_start3A_20, %dma_start3A_21] : memref<10240x128xf32, #tpu.memory_space<hbm>> -> memref<10240x128xf32, #tpu.memory_space<hbm>>
    tpu.enqueue_indirect_dma source(%dma_start3A_22 : memref<10240x128xf32, #tpu.memory_space<hbm>>) target(%dma_start3A_16 : memref<80x128xf32, #tpu.memory_space<vmem>>) offsets(%dma_start3A_19 : memref<80xi32, #tpu.memory_space<vmem>>) semaphore(%arg11 : memref<!tpu.dma_semaphore, #tpu.memory_space<semaphore_mem>>)
    %scan3A = arith.constant 0 : i32
    %scan3A_23 = arith.constant 0 : i32
    %scan3A_24 = arith.constant 125 : i32
    %scan3A_25 = arith.addi %scan3A_23, %scan3A_24 : i32
    %scan3A_26 = arith.constant 1 : i32
    %scan3A_27 = scf.for %scan3A_53 = %scan3A_23 to %scan3A_25 step %scan3A_26 iter_args(%scan3A_54 = %scan3A) -> (i32)  : i32 {
      %rem3A = arith.constant 3 : i32
      %rem3A_55 = arith.remsi %scan3A_53, %rem3A : i32
      %add3A_56 = arith.constant 1 : i32
      %add3A_57 = arith.addi %scan3A_53, %add3A_56 : i32
      %rem3A_58 = arith.constant 3 : i32
      %rem3A_59 = arith.remsi %add3A_57, %rem3A_58 : i32
      %ge3A = arith.constant 2 : i32
      %ge3A_60 = arith.cmpi sge, %scan3A_53, %ge3A : i32
      %convert_element_type3A_61 = arith.extui %ge3A_60 : i1 to i32
      %cond3A_62 = arith.constant 0 : i32
      %cond3A_63 = arith.cmpi ne, %convert_element_type3A_61, %cond3A_62 : i32
      scf.if %cond3A_63 {
        %dma_wait3A_89 = arith.constant 0 : i32
        %dma_wait3A_90 = arith.constant 0 : i32
        %dma_wait3A_91 = tpu.memref_slice %arg9[%rem3A_59, %dma_wait3A_89, %dma_wait3A_90] : memref<3x80x128xf32, #tpu.memory_space<vmem>> -> memref<1x80x128xf32, #tpu.memory_space<vmem>>
        %dma_wait3A_92 = tpu.memref_squeeze %dma_wait3A_91 : memref<1x80x128xf32, #tpu.memory_space<vmem>> -> memref<80x128xf32, #tpu.memory_space<vmem>>
        %dma_wait3A_93 = arith.constant 0 : i32
        %dma_wait3A_94 = tpu.memref_slice %arg8[%rem3A_59, %dma_wait3A_93] : memref<3x80xi32, #tpu.memory_space<vmem>> -> memref<1x80xi32, #tpu.memory_space<vmem>>
        %dma_wait3A_95 = tpu.memref_squeeze %dma_wait3A_94 : memref<1x80xi32, #tpu.memory_space<vmem>> -> memref<80xi32, #tpu.memory_space<vmem>>
        %dma_wait3A_96 = arith.constant 0 : i32
        %dma_wait3A_97 = arith.constant 0 : i32
        %dma_wait3A_98 = tpu.memref_slice %arg10[%dma_wait3A_96, %dma_wait3A_97] : memref<10240x128xf32, #tpu.memory_space<vmem_shared>> -> memref<10240x128xf32, #tpu.memory_space<vmem_shared>>
        tpu.wait_indirect_dma semaphore(%arg12 : memref<!tpu.dma_semaphore, #tpu.memory_space<semaphore_mem>>) src(%dma_wait3A_92 : memref<80x128xf32, #tpu.memory_space<vmem>>) dst(%dma_wait3A_98 : memref<10240x128xf32, #tpu.memory_space<vmem_shared>>)
      } else {
      }
      %lt3A = arith.constant 124 : i32
      %lt3A_64 = arith.cmpi slt, %scan3A_53, %lt3A : i32
      %convert_element_type3A_65 = arith.extui %lt3A_64 : i1 to i32
      %cond3A_66 = arith.constant 0 : i32
      %cond3A_67 = arith.cmpi ne, %convert_element_type3A_65, %cond3A_66 : i32
      scf.if %cond3A_67 {
        %add3A_89 = arith.constant 1 : i32
        %add3A_90 = arith.addi %scan3A_53, %add3A_89 : i32
        %mul3A_91 = arith.constant 80 : i32
        %mul3A_92 = arith.muli %add3A_90, %mul3A_91 : i32
        %add3A_93 = arith.addi %mul3A_2, %mul3A_92 : i32
        "tpu.region"() ({
          %run_scoped3A_109 = tpu.sem_alloc : memref<!tpu.dma_semaphore, #tpu.memory_space<semaphore_mem>>
          %dma_start3A_110 = arith.constant 0 : i32
          %dma_start3A_111 = tpu.memref_slice %arg7[%rem3A_59, %dma_start3A_110] : memref<3x80xi32, #tpu.memory_space<vmem>> -> memref<1x80xi32, #tpu.memory_space<vmem>>
          %dma_start3A_112 = tpu.memref_squeeze %dma_start3A_111 : memref<1x80xi32, #tpu.memory_space<vmem>> -> memref<80xi32, #tpu.memory_space<vmem>>
          %dma_start3A_113 = tpu.memref_slice %arg3[%add3A_93] : memref<320000xi32, #tpu.memory_space<hbm>> -> memref<80xi32, #tpu.memory_space<hbm>>
          %dma_start3A_114 = arith.constant 0 : i32
          %dma_start3A_115 = tpu.memref_slice %arg7[%rem3A_59, %dma_start3A_114] : memref<3x80xi32, #tpu.memory_space<vmem>> -> memref<1x80xi32, #tpu.memory_space<vmem>>
          %dma_start3A_116 = tpu.memref_squeeze %dma_start3A_115 : memref<1x80xi32, #tpu.memory_space<vmem>> -> memref<80xi32, #tpu.memory_space<vmem>>
          %dma_start3A_117 = tpu.memref_slice %arg3[%add3A_93] : memref<320000xi32, #tpu.memory_space<hbm>> -> memref<80xi32, #tpu.memory_space<hbm>>
          tpu.enqueue_dma source(%dma_start3A_117 : memref<80xi32, #tpu.memory_space<hbm>>) target(%dma_start3A_116 : memref<80xi32, #tpu.memory_space<vmem>>) target_semaphore(%run_scoped3A_109 : memref<!tpu.dma_semaphore, #tpu.memory_space<semaphore_mem>>)
          %dma_wait3A_118 = arith.constant 0 : i32
          %dma_wait3A_119 = tpu.memref_slice %arg7[%rem3A_59, %dma_wait3A_118] : memref<3x80xi32, #tpu.memory_space<vmem>> -> memref<1x80xi32, #tpu.memory_space<vmem>>
          %dma_wait3A_120 = tpu.memref_squeeze %dma_wait3A_119 : memref<1x80xi32, #tpu.memory_space<vmem>> -> memref<80xi32, #tpu.memory_space<vmem>>
          %dma_wait3A_121 = tpu.memref_slice %arg3[%add3A_93] : memref<320000xi32, #tpu.memory_space<hbm>> -> memref<80xi32, #tpu.memory_space<hbm>>
          %dma_wait3A_122 = arith.constant 0 : i32
          %dma_wait3A_123 = tpu.memref_slice %arg7[%rem3A_59, %dma_wait3A_122] : memref<3x80xi32, #tpu.memory_space<vmem>> -> memref<1x80xi32, #tpu.memory_space<vmem>>
          %dma_wait3A_124 = tpu.memref_squeeze %dma_wait3A_123 : memref<1x80xi32, #tpu.memory_space<vmem>> -> memref<80xi32, #tpu.memory_space<vmem>>
          %dma_wait3A_125 = tpu.memref_slice %arg3[%add3A_93] : memref<320000xi32, #tpu.memory_space<hbm>> -> memref<80xi32, #tpu.memory_space<hbm>>
          tpu.wait_dma2 semaphore(%run_scoped3A_109 : memref<!tpu.dma_semaphore, #tpu.memory_space<semaphore_mem>>) src(%dma_wait3A_125 : memref<80xi32, #tpu.memory_space<hbm>>) dst(%dma_wait3A_124 : memref<80xi32, #tpu.memory_space<vmem>>)
          tpu.yield
        }) : () -> ()
        %add3A_94 = arith.constant 1 : i32
        %add3A_95 = arith.addi %scan3A_53, %add3A_94 : i32
        %mul3A_96 = arith.constant 80 : i32
        %mul3A_97 = arith.muli %add3A_95, %mul3A_96 : i32
        %add3A_98 = arith.addi %mul3A_2, %mul3A_97 : i32
        "tpu.region"() ({
          %run_scoped3A_109 = tpu.sem_alloc : memref<!tpu.dma_semaphore, #tpu.memory_space<semaphore_mem>>
          %dma_start3A_110 = arith.constant 0 : i32
          %dma_start3A_111 = tpu.memref_slice %arg8[%rem3A_59, %dma_start3A_110] : memref<3x80xi32, #tpu.memory_space<vmem>> -> memref<1x80xi32, #tpu.memory_space<vmem>>
          %dma_start3A_112 = tpu.memref_squeeze %dma_start3A_111 : memref<1x80xi32, #tpu.memory_space<vmem>> -> memref<80xi32, #tpu.memory_space<vmem>>
          %dma_start3A_113 = tpu.memref_slice %arg4[%add3A_98] : memref<320000xi32, #tpu.memory_space<hbm>> -> memref<80xi32, #tpu.memory_space<hbm>>
          %dma_start3A_114 = arith.constant 0 : i32
          %dma_start3A_115 = tpu.memref_slice %arg8[%rem3A_59, %dma_start3A_114] : memref<3x80xi32, #tpu.memory_space<vmem>> -> memref<1x80xi32, #tpu.memory_space<vmem>>
          %dma_start3A_116 = tpu.memref_squeeze %dma_start3A_115 : memref<1x80xi32, #tpu.memory_space<vmem>> -> memref<80xi32, #tpu.memory_space<vmem>>
          %dma_start3A_117 = tpu.memref_slice %arg4[%add3A_98] : memref<320000xi32, #tpu.memory_space<hbm>> -> memref<80xi32, #tpu.memory_space<hbm>>
          tpu.enqueue_dma source(%dma_start3A_117 : memref<80xi32, #tpu.memory_space<hbm>>) target(%dma_start3A_116 : memref<80xi32, #tpu.memory_space<vmem>>) target_semaphore(%run_scoped3A_109 : memref<!tpu.dma_semaphore, #tpu.memory_space<semaphore_mem>>)
          %dma_wait3A_118 = arith.constant 0 : i32
          %dma_wait3A_119 = tpu.memref_slice %arg8[%rem3A_59, %dma_wait3A_118] : memref<3x80xi32, #tpu.memory_space<vmem>> -> memref<1x80xi32, #tpu.memory_space<vmem>>
          %dma_wait3A_120 = tpu.memref_squeeze %dma_wait3A_119 : memref<1x80xi32, #tpu.memory_space<vmem>> -> memref<80xi32, #tpu.memory_space<vmem>>
          %dma_wait3A_121 = tpu.memref_slice %arg4[%add3A_98] : memref<320000xi32, #tpu.memory_space<hbm>> -> memref<80xi32, #tpu.memory_space<hbm>>
          %dma_wait3A_122 = arith.constant 0 : i32
          %dma_wait3A_123 = tpu.memref_slice %arg8[%rem3A_59, %dma_wait3A_122] : memref<3x80xi32, #tpu.memory_space<vmem>> -> memref<1x80xi32, #tpu.memory_space<vmem>>
          %dma_wait3A_124 = tpu.memref_squeeze %dma_wait3A_123 : memref<1x80xi32, #tpu.memory_space<vmem>> -> memref<80xi32, #tpu.memory_space<vmem>>
          %dma_wait3A_125 = tpu.memref_slice %arg4[%add3A_98] : memref<320000xi32, #tpu.memory_space<hbm>> -> memref<80xi32, #tpu.memory_space<hbm>>
          tpu.wait_dma2 semaphore(%run_scoped3A_109 : memref<!tpu.dma_semaphore, #tpu.memory_space<semaphore_mem>>) src(%dma_wait3A_125 : memref<80xi32, #tpu.memory_space<hbm>>) dst(%dma_wait3A_124 : memref<80xi32, #tpu.memory_space<vmem>>)
          tpu.yield
        }) : () -> ()
        %dma_start3A_99 = arith.constant 0 : i32
        %dma_start3A_100 = arith.constant 0 : i32
        %dma_start3A_101 = tpu.memref_slice %arg9[%rem3A_59, %dma_start3A_99, %dma_start3A_100] : memref<3x80x128xf32, #tpu.memory_space<vmem>> -> memref<1x80x128xf32, #tpu.memory_space<vmem>>
        %dma_start3A_102 = tpu.memref_squeeze %dma_start3A_101 : memref<1x80x128xf32, #tpu.memory_space<vmem>> -> memref<80x128xf32, #tpu.memory_space<vmem>>
        %dma_start3A_103 = arith.constant 0 : i32
        %dma_start3A_104 = tpu.memref_slice %arg7[%rem3A_59, %dma_start3A_103] : memref<3x80xi32, #tpu.memory_space<vmem>> -> memref<1x80xi32, #tpu.memory_space<vmem>>
        %dma_start3A_105 = tpu.memref_squeeze %dma_start3A_104 : memref<1x80xi32, #tpu.memory_space<vmem>> -> memref<80xi32, #tpu.memory_space<vmem>>
        %dma_start3A_106 = arith.constant 0 : i32
        %dma_start3A_107 = arith.constant 0 : i32
        %dma_start3A_108 = tpu.memref_slice %arg2[%dma_start3A_106, %dma_start3A_107] : memref<10240x128xf32, #tpu.memory_space<hbm>> -> memref<10240x128xf32, #tpu.memory_space<hbm>>
        tpu.enqueue_indirect_dma source(%dma_start3A_108 : memref<10240x128xf32, #tpu.memory_space<hbm>>) target(%dma_start3A_102 : memref<80x128xf32, #tpu.memory_space<vmem>>) offsets(%dma_start3A_105 : memref<80xi32, #tpu.memory_space<vmem>>) semaphore(%arg11 : memref<!tpu.dma_semaphore, #tpu.memory_space<semaphore_mem>>)
      } else {
      }
      %dma_wait3A_68 = arith.constant 0 : i32
      %dma_wait3A_69 = arith.constant 0 : i32
      %dma_wait3A_70 = tpu.memref_slice %arg9[%rem3A_55, %dma_wait3A_68, %dma_wait3A_69] : memref<3x80x128xf32, #tpu.memory_space<vmem>> -> memref<1x80x128xf32, #tpu.memory_space<vmem>>
      %dma_wait3A_71 = tpu.memref_squeeze %dma_wait3A_70 : memref<1x80x128xf32, #tpu.memory_space<vmem>> -> memref<80x128xf32, #tpu.memory_space<vmem>>
      %dma_wait3A_72 = arith.constant 0 : i32
      %dma_wait3A_73 = tpu.memref_slice %arg7[%rem3A_55, %dma_wait3A_72] : memref<3x80xi32, #tpu.memory_space<vmem>> -> memref<1x80xi32, #tpu.memory_space<vmem>>
      %dma_wait3A_74 = tpu.memref_squeeze %dma_wait3A_73 : memref<1x80xi32, #tpu.memory_space<vmem>> -> memref<80xi32, #tpu.memory_space<vmem>>
      %dma_wait3A_75 = arith.constant 0 : i32
      %dma_wait3A_76 = arith.constant 0 : i32
      %dma_wait3A_77 = tpu.memref_slice %arg2[%dma_wait3A_75, %dma_wait3A_76] : memref<10240x128xf32, #tpu.memory_space<hbm>> -> memref<10240x128xf32, #tpu.memory_space<hbm>>
      tpu.wait_indirect_dma semaphore(%arg11 : memref<!tpu.dma_semaphore, #tpu.memory_space<semaphore_mem>>) src(%dma_wait3A_77 : memref<10240x128xf32, #tpu.memory_space<hbm>>) dst(%dma_wait3A_71 : memref<80x128xf32, #tpu.memory_space<vmem>>)
      %dma_start3A_78 = arith.constant 0 : i32
      %dma_start3A_79 = arith.constant 0 : i32
      %dma_start3A_80 = tpu.memref_slice %arg9[%rem3A_55, %dma_start3A_78, %dma_start3A_79] : memref<3x80x128xf32, #tpu.memory_space<vmem>> -> memref<1x80x128xf32, #tpu.memory_space<vmem>>
      %dma_start3A_81 = tpu.memref_squeeze %dma_start3A_80 : memref<1x80x128xf32, #tpu.memory_space<vmem>> -> memref<80x128xf32, #tpu.memory_space<vmem>>
      %dma_start3A_82 = arith.constant 0 : i32
      %dma_start3A_83 = tpu.memref_slice %arg8[%rem3A_55, %dma_start3A_82] : memref<3x80xi32, #tpu.memory_space<vmem>> -> memref<1x80xi32, #tpu.memory_space<vmem>>
      %dma_start3A_84 = tpu.memref_squeeze %dma_start3A_83 : memref<1x80xi32, #tpu.memory_space<vmem>> -> memref<80xi32, #tpu.memory_space<vmem>>
      %dma_start3A_85 = arith.constant 0 : i32
      %dma_start3A_86 = arith.constant 0 : i32
      %dma_start3A_87 = tpu.memref_slice %arg10[%dma_start3A_85, %dma_start3A_86] : memref<10240x128xf32, #tpu.memory_space<vmem_shared>> -> memref<10240x128xf32, #tpu.memory_space<vmem_shared>>
      tpu.enqueue_indirect_dma source(%dma_start3A_81 : memref<80x128xf32, #tpu.memory_space<vmem>>) target(%dma_start3A_87 : memref<10240x128xf32, #tpu.memory_space<vmem_shared>>) offsets(%dma_start3A_84 : memref<80xi32, #tpu.memory_space<vmem>>) semaphore(%arg12 : memref<!tpu.dma_semaphore, #tpu.memory_space<semaphore_mem>>) {add = true}
      %scan3A_88 = arith.constant 0 : i32
      scf.yield %scan3A_88 : i32
    }
    %scan3A_28 = arith.constant 125 : i32
    %dma_wait3A = arith.constant 0 : i32
    %dma_wait3A_29 = arith.constant 0 : i32
    %dma_wait3A_30 = arith.constant 0 : i32
    %dma_wait3A_31 = arith.constant 0 : i32
    %dma_wait3A_32 = tpu.memref_slice %arg9[%dma_wait3A, %dma_wait3A_30, %dma_wait3A_31] : memref<3x80x128xf32, #tpu.memory_space<vmem>> -> memref<1x80x128xf32, #tpu.memory_space<vmem>>
    %dma_wait3A_33 = tpu.memref_squeeze %dma_wait3A_32 : memref<1x80x128xf32, #tpu.memory_space<vmem>> -> memref<80x128xf32, #tpu.memory_space<vmem>>
    %dma_wait3A_34 = arith.constant 0 : i32
    %dma_wait3A_35 = tpu.memref_slice %arg8[%dma_wait3A_29, %dma_wait3A_34] : memref<3x80xi32, #tpu.memory_space<vmem>> -> memref<1x80xi32, #tpu.memory_space<vmem>>
    %dma_wait3A_36 = tpu.memref_squeeze %dma_wait3A_35 : memref<1x80xi32, #tpu.memory_space<vmem>> -> memref<80xi32, #tpu.memory_space<vmem>>
    %dma_wait3A_37 = arith.constant 0 : i32
    %dma_wait3A_38 = arith.constant 0 : i32
    %dma_wait3A_39 = tpu.memref_slice %arg10[%dma_wait3A_37, %dma_wait3A_38] : memref<10240x128xf32, #tpu.memory_space<vmem_shared>> -> memref<10240x128xf32, #tpu.memory_space<vmem_shared>>
    tpu.wait_indirect_dma semaphore(%arg12 : memref<!tpu.dma_semaphore, #tpu.memory_space<semaphore_mem>>) src(%dma_wait3A_33 : memref<80x128xf32, #tpu.memory_space<vmem>>) dst(%dma_wait3A_39 : memref<10240x128xf32, #tpu.memory_space<vmem_shared>>)
    %dma_wait3A_40 = arith.constant 1 : i32
    %dma_wait3A_41 = arith.constant 1 : i32
    %dma_wait3A_42 = arith.constant 0 : i32
    %dma_wait3A_43 = arith.constant 0 : i32
    %dma_wait3A_44 = tpu.memref_slice %arg9[%dma_wait3A_40, %dma_wait3A_42, %dma_wait3A_43] : memref<3x80x128xf32, #tpu.memory_space<vmem>> -> memref<1x80x128xf32, #tpu.memory_space<vmem>>
    %dma_wait3A_45 = tpu.memref_squeeze %dma_wait3A_44 : memref<1x80x128xf32, #tpu.memory_space<vmem>> -> memref<80x128xf32, #tpu.memory_space<vmem>>
    %dma_wait3A_46 = arith.constant 0 : i32
    %dma_wait3A_47 = tpu.memref_slice %arg8[%dma_wait3A_41, %dma_wait3A_46] : memref<3x80xi32, #tpu.memory_space<vmem>> -> memref<1x80xi32, #tpu.memory_space<vmem>>
    %dma_wait3A_48 = tpu.memref_squeeze %dma_wait3A_47 : memref<1x80xi32, #tpu.memory_space<vmem>> -> memref<80xi32, #tpu.memory_space<vmem>>
    %dma_wait3A_49 = arith.constant 0 : i32
    %dma_wait3A_50 = arith.constant 0 : i32
    %dma_wait3A_51 = tpu.memref_slice %arg10[%dma_wait3A_49, %dma_wait3A_50] : memref<10240x128xf32, #tpu.memory_space<vmem_shared>> -> memref<10240x128xf32, #tpu.memory_space<vmem_shared>>
    tpu.wait_indirect_dma semaphore(%arg12 : memref<!tpu.dma_semaphore, #tpu.memory_space<semaphore_mem>>) src(%dma_wait3A_45 : memref<80x128xf32, #tpu.memory_space<vmem>>) dst(%dma_wait3A_51 : memref<10240x128xf32, #tpu.memory_space<vmem_shared>>)
    %barrier3A_52 = arith.constant 0 : index
    tpu.barrier barrier_id(%barrier3A_52)
    "tpu.region"() ({
      %run_scoped3A_53 = tpu.sem_alloc : memref<!tpu.dma_semaphore, #tpu.memory_space<semaphore_mem>>
      %dma_start3A_54 = arith.constant 0 : i32
      %dma_start3A_55 = tpu.memref_slice %arg6[%arg0, %mul3A_4, %dma_start3A_54] : memref<2x10240x128xf32, #tpu.memory_space<hbm>> -> memref<1x640x128xf32, #tpu.memory_space<hbm>>
      %dma_start3A_56 = tpu.memref_squeeze %dma_start3A_55 : memref<1x640x128xf32, #tpu.memory_space<hbm>> -> memref<640x128xf32, #tpu.memory_space<hbm>>
      %dma_start3A_57 = arith.constant 0 : i32
      %dma_start3A_58 = tpu.memref_slice %arg10[%mul3A_4, %dma_start3A_57] : memref<10240x128xf32, #tpu.memory_space<vmem_shared>> -> memref<640x128xf32, #tpu.memory_space<vmem_shared>>
      tpu.enqueue_dma source(%dma_start3A_58 : memref<640x128xf32, #tpu.memory_space<vmem_shared>>) target(%dma_start3A_56 : memref<640x128xf32, #tpu.memory_space<hbm>>) target_semaphore(%run_scoped3A_53 : memref<!tpu.dma_semaphore, #tpu.memory_space<semaphore_mem>>)
      %dma_wait3A_59 = arith.constant 0 : i32
      %dma_wait3A_60 = tpu.memref_slice %arg6[%arg0, %mul3A_4, %dma_wait3A_59] : memref<2x10240x128xf32, #tpu.memory_space<hbm>> -> memref<1x640x128xf32, #tpu.memory_space<hbm>>
      %dma_wait3A_61 = tpu.memref_squeeze %dma_wait3A_60 : memref<1x640x128xf32, #tpu.memory_space<hbm>> -> memref<640x128xf32, #tpu.memory_space<hbm>>
      %dma_wait3A_62 = arith.constant 0 : i32
      %dma_wait3A_63 = tpu.memref_slice %arg10[%mul3A_4, %dma_wait3A_62] : memref<10240x128xf32, #tpu.memory_space<vmem_shared>> -> memref<640x128xf32, #tpu.memory_space<vmem_shared>>
      tpu.wait_dma2 semaphore(%run_scoped3A_53 : memref<!tpu.dma_semaphore, #tpu.memory_space<semaphore_mem>>) src(%dma_wait3A_63 : memref<640x128xf32, #tpu.memory_space<vmem_shared>>) dst(%dma_wait3A_61 : memref<640x128xf32, #tpu.memory_space<hbm>>)
      tpu.yield
    }) : () -> ()
    return
  }
}

#map = affine_map<(d0, d1) -> (0, 0)>
#map1 = affine_map<(d0, d1) -> (0)>
#map2 = affine_map<(d0, d1) -> (0, 0, 0)>
module attributes {stable_mosaic.version = 14 : i64} {
  func.func @_agg_body(%arg0: i32, %arg1: i32, %arg2: memref<10240x128xf32, #tpu.memory_space<hbm>>, %arg3: memref<320000xi32, #tpu.memory_space<hbm>>, %arg4: memref<320000xi32, #tpu.memory_space<hbm>>, %arg5: memref<32x128xf32, #tpu.memory_space<hbm>>, %arg6: memref<2x10240x128xf32, #tpu.memory_space<hbm>>, %arg7: memref<3x80xi32, #tpu.memory_space<vmem>>, %arg8: memref<3x80xi32, #tpu.memory_space<vmem>>, %arg9: memref<3x80x128xf32, #tpu.memory_space<vmem>>, %arg10: memref<10240x128xf32, #tpu.memory_space<vmem_shared>>, %arg11: memref<!tpu.dma_semaphore, #tpu.memory_space<semaphore_mem>>, %arg12: memref<!tpu.dma_semaphore, #tpu.memory_space<semaphore_mem>>) attributes {dimension_semantics = [#tpu.dimension_semantics<core_parallel>, #tpu.dimension_semantics<subcore_parallel>], iteration_bounds = array<i64: 2, 16>, scalar_prefetch = 0 : i64, scratch_operands = 6 : i64, tpu.core_type = #tpu.core_type<sc_vector_subcore>, window_params = [{transform_indices = #map}, {transform_indices = #map1}, {transform_indices = #map1}, {transform_indices = #map}, {transform_indices = #map2}]} {
    %mul3A = arith.constant 2 : i32
    %mul3A_0 = arith.muli %arg1, %mul3A : i32
    %add3A = arith.addi %mul3A_0, %arg0 : i32
    %mul3A_1 = arith.constant 10000 : i32
    %mul3A_2 = arith.muli %add3A, %mul3A_1 : i32
    %mul3A_3 = arith.constant 640 : i32
    %mul3A_4 = arith.muli %arg1, %mul3A_3 : i32
    %eq3A = arith.constant 0 : i32
    %eq3A_5 = arith.cmpi eq, %arg0, %eq3A : i32
    %convert_element_type3A = arith.extui %eq3A_5 : i1 to i32
    %cond3A = arith.constant 0 : i32
    %cond3A_6 = arith.cmpi ne, %convert_element_type3A, %cond3A : i32
    scf.if %cond3A_6 {
      "tpu.region"() ({
        %run_scoped3A_53 = tpu.sem_alloc : memref<!tpu.dma_semaphore, #tpu.memory_space<semaphore_mem>>
        %dma_start3A_54 = arith.constant 0 : i32
        %dma_start3A_55 = tpu.memref_slice %arg10[%mul3A_4, %dma_start3A_54] : memref<10240x128xf32, #tpu.memory_space<vmem_shared>> -> memref<640x128xf32, #tpu.memory_space<vmem_shared>>
        %dma_start3A_56 = arith.constant 0 : i32
        %dma_start3A_57 = tpu.memref_slice %arg2[%mul3A_4, %dma_start3A_56] : memref<10240x128xf32, #tpu.memory_space<hbm>> -> memref<640x128xf32, #tpu.memory_space<hbm>>
        tpu.enqueue_dma source(%dma_start3A_57 : memref<640x128xf32, #tpu.memory_space<hbm>>) target(%dma_start3A_55 : memref<640x128xf32, #tpu.memory_space<vmem_shared>>) target_semaphore(%run_scoped3A_53 : memref<!tpu.dma_semaphore, #tpu.memory_space<semaphore_mem>>)
        %dma_wait3A_58 = arith.constant 0 : i32
        %dma_wait3A_59 = tpu.memref_slice %arg10[%mul3A_4, %dma_wait3A_58] : memref<10240x128xf32, #tpu.memory_space<vmem_shared>> -> memref<640x128xf32, #tpu.memory_space<vmem_shared>>
        %dma_wait3A_60 = arith.constant 0 : i32
        %dma_wait3A_61 = tpu.memref_slice %arg2[%mul3A_4, %dma_wait3A_60] : memref<10240x128xf32, #tpu.memory_space<hbm>> -> memref<640x128xf32, #tpu.memory_space<hbm>>
        tpu.wait_dma2 semaphore(%run_scoped3A_53 : memref<!tpu.dma_semaphore, #tpu.memory_space<semaphore_mem>>) src(%dma_wait3A_61 : memref<640x128xf32, #tpu.memory_space<hbm>>) dst(%dma_wait3A_59 : memref<640x128xf32, #tpu.memory_space<vmem_shared>>)
        tpu.yield
      }) : () -> ()
    } else {
    }
    %ne3A = arith.constant 0 : i32
    %ne3A_7 = arith.cmpi ne, %arg0, %ne3A : i32
    %convert_element_type3A_8 = arith.extui %ne3A_7 : i1 to i32
    %cond3A_9 = arith.constant 0 : i32
    %cond3A_10 = arith.cmpi ne, %convert_element_type3A_8, %cond3A_9 : i32
    scf.if %cond3A_10 {
      %scan3A_53 = arith.constant 0 : i32
      %scan3A_54 = arith.constant 0 : i32
      %scan3A_55 = arith.constant 20 : i32
      %scan3A_56 = arith.addi %scan3A_54, %scan3A_55 : i32
      %scan3A_57 = arith.constant 1 : i32
      %scan3A_58 = scf.for %scan3A_60 = %scan3A_54 to %scan3A_56 step %scan3A_57 iter_args(%scan3A_61 = %scan3A_53) -> (i32)  : i32 {
        %mul3A_62 = arith.constant 32 : i32
        %mul3A_63 = arith.muli %scan3A_60, %mul3A_62 : i32
        %add3A_64 = arith.addi %mul3A_4, %mul3A_63 : i32
        "tpu.region"() ({
          %run_scoped3A_66 = tpu.sem_alloc : memref<!tpu.dma_semaphore, #tpu.memory_space<semaphore_mem>>
          %dma_start3A_67 = arith.constant 0 : i32
          %dma_start3A_68 = tpu.memref_slice %arg10[%add3A_64, %dma_start3A_67] : memref<10240x128xf32, #tpu.memory_space<vmem_shared>> -> memref<32x128xf32, #tpu.memory_space<vmem_shared>>
          tpu.enqueue_dma source(%arg5 : memref<32x128xf32, #tpu.memory_space<hbm>>) target(%dma_start3A_68 : memref<32x128xf32, #tpu.memory_space<vmem_shared>>) target_semaphore(%run_scoped3A_66 : memref<!tpu.dma_semaphore, #tpu.memory_space<semaphore_mem>>)
          %dma_wait3A_69 = arith.constant 0 : i32
          %dma_wait3A_70 = tpu.memref_slice %arg10[%add3A_64, %dma_wait3A_69] : memref<10240x128xf32, #tpu.memory_space<vmem_shared>> -> memref<32x128xf32, #tpu.memory_space<vmem_shared>>
          tpu.wait_dma2 semaphore(%run_scoped3A_66 : memref<!tpu.dma_semaphore, #tpu.memory_space<semaphore_mem>>) src(%arg5 : memref<32x128xf32, #tpu.memory_space<hbm>>) dst(%dma_wait3A_70 : memref<32x128xf32, #tpu.memory_space<vmem_shared>>)
          tpu.yield
        }) : () -> ()
        %scan3A_65 = arith.constant 0 : i32
        scf.yield %scan3A_65 : i32
      }
      %scan3A_59 = arith.constant 20 : i32
    } else {
    }
    %barrier3A = arith.constant 0 : index
    tpu.barrier barrier_id(%barrier3A)
    %run_scoped3A = arith.constant 0 : i32
    "tpu.region"() ({
      %run_scoped3A_53 = tpu.sem_alloc : memref<!tpu.dma_semaphore, #tpu.memory_space<semaphore_mem>>
      %dma_start3A_54 = arith.constant 0 : i32
      %dma_start3A_55 = tpu.memref_slice %arg7[%run_scoped3A, %dma_start3A_54] : memref<3x80xi32, #tpu.memory_space<vmem>> -> memref<1x80xi32, #tpu.memory_space<vmem>>
      %dma_start3A_56 = tpu.memref_squeeze %dma_start3A_55 : memref<1x80xi32, #tpu.memory_space<vmem>> -> memref<80xi32, #tpu.memory_space<vmem>>
      %dma_start3A_57 = tpu.memref_slice %arg3[%mul3A_2] : memref<320000xi32, #tpu.memory_space<hbm>> -> memref<80xi32, #tpu.memory_space<hbm>>
      %dma_start3A_58 = arith.constant 0 : i32
      %dma_start3A_59 = tpu.memref_slice %arg7[%run_scoped3A, %dma_start3A_58] : memref<3x80xi32, #tpu.memory_space<vmem>> -> memref<1x80xi32, #tpu.memory_space<vmem>>
      %dma_start3A_60 = tpu.memref_squeeze %dma_start3A_59 : memref<1x80xi32, #tpu.memory_space<vmem>> -> memref<80xi32, #tpu.memory_space<vmem>>
      %dma_start3A_61 = tpu.memref_slice %arg3[%mul3A_2] : memref<320000xi32, #tpu.memory_space<hbm>> -> memref<80xi32, #tpu.memory_space<hbm>>
      tpu.enqueue_dma source(%dma_start3A_61 : memref<80xi32, #tpu.memory_space<hbm>>) target(%dma_start3A_60 : memref<80xi32, #tpu.memory_space<vmem>>) target_semaphore(%run_scoped3A_53 : memref<!tpu.dma_semaphore, #tpu.memory_space<semaphore_mem>>)
      %dma_wait3A_62 = arith.constant 0 : i32
      %dma_wait3A_63 = tpu.memref_slice %arg7[%run_scoped3A, %dma_wait3A_62] : memref<3x80xi32, #tpu.memory_space<vmem>> -> memref<1x80xi32, #tpu.memory_space<vmem>>
      %dma_wait3A_64 = tpu.memref_squeeze %dma_wait3A_63 : memref<1x80xi32, #tpu.memory_space<vmem>> -> memref<80xi32, #tpu.memory_space<vmem>>
      %dma_wait3A_65 = tpu.memref_slice %arg3[%mul3A_2] : memref<320000xi32, #tpu.memory_space<hbm>> -> memref<80xi32, #tpu.memory_space<hbm>>
      %dma_wait3A_66 = arith.constant 0 : i32
      %dma_wait3A_67 = tpu.memref_slice %arg7[%run_scoped3A, %dma_wait3A_66] : memref<3x80xi32, #tpu.memory_space<vmem>> -> memref<1x80xi32, #tpu.memory_space<vmem>>
      %dma_wait3A_68 = tpu.memref_squeeze %dma_wait3A_67 : memref<1x80xi32, #tpu.memory_space<vmem>> -> memref<80xi32, #tpu.memory_space<vmem>>
      %dma_wait3A_69 = tpu.memref_slice %arg3[%mul3A_2] : memref<320000xi32, #tpu.memory_space<hbm>> -> memref<80xi32, #tpu.memory_space<hbm>>
      tpu.wait_dma2 semaphore(%run_scoped3A_53 : memref<!tpu.dma_semaphore, #tpu.memory_space<semaphore_mem>>) src(%dma_wait3A_69 : memref<80xi32, #tpu.memory_space<hbm>>) dst(%dma_wait3A_68 : memref<80xi32, #tpu.memory_space<vmem>>)
      tpu.yield
    }) : () -> ()
    %run_scoped3A_11 = arith.constant 0 : i32
    "tpu.region"() ({
      %run_scoped3A_53 = tpu.sem_alloc : memref<!tpu.dma_semaphore, #tpu.memory_space<semaphore_mem>>
      %dma_start3A_54 = arith.constant 0 : i32
      %dma_start3A_55 = tpu.memref_slice %arg8[%run_scoped3A_11, %dma_start3A_54] : memref<3x80xi32, #tpu.memory_space<vmem>> -> memref<1x80xi32, #tpu.memory_space<vmem>>
      %dma_start3A_56 = tpu.memref_squeeze %dma_start3A_55 : memref<1x80xi32, #tpu.memory_space<vmem>> -> memref<80xi32, #tpu.memory_space<vmem>>
      %dma_start3A_57 = tpu.memref_slice %arg4[%mul3A_2] : memref<320000xi32, #tpu.memory_space<hbm>> -> memref<80xi32, #tpu.memory_space<hbm>>
      %dma_start3A_58 = arith.constant 0 : i32
      %dma_start3A_59 = tpu.memref_slice %arg8[%run_scoped3A_11, %dma_start3A_58] : memref<3x80xi32, #tpu.memory_space<vmem>> -> memref<1x80xi32, #tpu.memory_space<vmem>>
      %dma_start3A_60 = tpu.memref_squeeze %dma_start3A_59 : memref<1x80xi32, #tpu.memory_space<vmem>> -> memref<80xi32, #tpu.memory_space<vmem>>
      %dma_start3A_61 = tpu.memref_slice %arg4[%mul3A_2] : memref<320000xi32, #tpu.memory_space<hbm>> -> memref<80xi32, #tpu.memory_space<hbm>>
      tpu.enqueue_dma source(%dma_start3A_61 : memref<80xi32, #tpu.memory_space<hbm>>) target(%dma_start3A_60 : memref<80xi32, #tpu.memory_space<vmem>>) target_semaphore(%run_scoped3A_53 : memref<!tpu.dma_semaphore, #tpu.memory_space<semaphore_mem>>)
      %dma_wait3A_62 = arith.constant 0 : i32
      %dma_wait3A_63 = tpu.memref_slice %arg8[%run_scoped3A_11, %dma_wait3A_62] : memref<3x80xi32, #tpu.memory_space<vmem>> -> memref<1x80xi32, #tpu.memory_space<vmem>>
      %dma_wait3A_64 = tpu.memref_squeeze %dma_wait3A_63 : memref<1x80xi32, #tpu.memory_space<vmem>> -> memref<80xi32, #tpu.memory_space<vmem>>
      %dma_wait3A_65 = tpu.memref_slice %arg4[%mul3A_2] : memref<320000xi32, #tpu.memory_space<hbm>> -> memref<80xi32, #tpu.memory_space<hbm>>
      %dma_wait3A_66 = arith.constant 0 : i32
      %dma_wait3A_67 = tpu.memref_slice %arg8[%run_scoped3A_11, %dma_wait3A_66] : memref<3x80xi32, #tpu.memory_space<vmem>> -> memref<1x80xi32, #tpu.memory_space<vmem>>
      %dma_wait3A_68 = tpu.memref_squeeze %dma_wait3A_67 : memref<1x80xi32, #tpu.memory_space<vmem>> -> memref<80xi32, #tpu.memory_space<vmem>>
      %dma_wait3A_69 = tpu.memref_slice %arg4[%mul3A_2] : memref<320000xi32, #tpu.memory_space<hbm>> -> memref<80xi32, #tpu.memory_space<hbm>>
      tpu.wait_dma2 semaphore(%run_scoped3A_53 : memref<!tpu.dma_semaphore, #tpu.memory_space<semaphore_mem>>) src(%dma_wait3A_69 : memref<80xi32, #tpu.memory_space<hbm>>) dst(%dma_wait3A_68 : memref<80xi32, #tpu.memory_space<vmem>>)
      tpu.yield
    }) : () -> ()
    %dma_start3A = arith.constant 0 : i32
    %dma_start3A_12 = arith.constant 0 : i32
    %dma_start3A_13 = arith.constant 0 : i32
    %dma_start3A_14 = arith.constant 0 : i32
    %dma_start3A_15 = tpu.memref_slice %arg9[%dma_start3A_12, %dma_start3A_13, %dma_start3A_14] : memref<3x80x128xf32, #tpu.memory_space<vmem>> -> memref<1x80x128xf32, #tpu.memory_space<vmem>>
    %dma_start3A_16 = tpu.memref_squeeze %dma_start3A_15 : memref<1x80x128xf32, #tpu.memory_space<vmem>> -> memref<80x128xf32, #tpu.memory_space<vmem>>
    %dma_start3A_17 = arith.constant 0 : i32
    %dma_start3A_18 = tpu.memref_slice %arg7[%dma_start3A, %dma_start3A_17] : memref<3x80xi32, #tpu.memory_space<vmem>> -> memref<1x80xi32, #tpu.memory_space<vmem>>
    %dma_start3A_19 = tpu.memref_squeeze %dma_start3A_18 : memref<1x80xi32, #tpu.memory_space<vmem>> -> memref<80xi32, #tpu.memory_space<vmem>>
    %dma_start3A_20 = arith.constant 0 : i32
    %dma_start3A_21 = arith.constant 0 : i32
    %dma_start3A_22 = tpu.memref_slice %arg2[%dma_start3A_20, %dma_start3A_21] : memref<10240x128xf32, #tpu.memory_space<hbm>> -> memref<10240x128xf32, #tpu.memory_space<hbm>>
    tpu.enqueue_indirect_dma source(%dma_start3A_22 : memref<10240x128xf32, #tpu.memory_space<hbm>>) target(%dma_start3A_16 : memref<80x128xf32, #tpu.memory_space<vmem>>) offsets(%dma_start3A_19 : memref<80xi32, #tpu.memory_space<vmem>>) semaphore(%arg11 : memref<!tpu.dma_semaphore, #tpu.memory_space<semaphore_mem>>)
    %scan3A = arith.constant 0 : i32
    %scan3A_23 = arith.constant 0 : i32
    %scan3A_24 = arith.constant 125 : i32
    %scan3A_25 = arith.addi %scan3A_23, %scan3A_24 : i32
    %scan3A_26 = arith.constant 1 : i32
    %scan3A_27 = scf.for %scan3A_53 = %scan3A_23 to %scan3A_25 step %scan3A_26 iter_args(%scan3A_54 = %scan3A) -> (i32)  : i32 {
      %rem3A = arith.constant 3 : i32
      %rem3A_55 = arith.remsi %scan3A_53, %rem3A : i32
      %add3A_56 = arith.constant 1 : i32
      %add3A_57 = arith.addi %scan3A_53, %add3A_56 : i32
      %rem3A_58 = arith.constant 3 : i32
      %rem3A_59 = arith.remsi %add3A_57, %rem3A_58 : i32
      %ge3A = arith.constant 2 : i32
      %ge3A_60 = arith.cmpi sge, %scan3A_53, %ge3A : i32
      %convert_element_type3A_61 = arith.extui %ge3A_60 : i1 to i32
      %cond3A_62 = arith.constant 0 : i32
      %cond3A_63 = arith.cmpi ne, %convert_element_type3A_61, %cond3A_62 : i32
      scf.if %cond3A_63 {
        %dma_wait3A_89 = arith.constant 0 : i32
        %dma_wait3A_90 = arith.constant 0 : i32
        %dma_wait3A_91 = tpu.memref_slice %arg9[%rem3A_59, %dma_wait3A_89, %dma_wait3A_90] : memref<3x80x128xf32, #tpu.memory_space<vmem>> -> memref<1x80x128xf32, #tpu.memory_space<vmem>>
        %dma_wait3A_92 = tpu.memref_squeeze %dma_wait3A_91 : memref<1x80x128xf32, #tpu.memory_space<vmem>> -> memref<80x128xf32, #tpu.memory_space<vmem>>
        %dma_wait3A_93 = arith.constant 0 : i32
        %dma_wait3A_94 = tpu.memref_slice %arg8[%rem3A_59, %dma_wait3A_93] : memref<3x80xi32, #tpu.memory_space<vmem>> -> memref<1x80xi32, #tpu.memory_space<vmem>>
        %dma_wait3A_95 = tpu.memref_squeeze %dma_wait3A_94 : memref<1x80xi32, #tpu.memory_space<vmem>> -> memref<80xi32, #tpu.memory_space<vmem>>
        %dma_wait3A_96 = arith.constant 0 : i32
        %dma_wait3A_97 = arith.constant 0 : i32
        %dma_wait3A_98 = tpu.memref_slice %arg10[%dma_wait3A_96, %dma_wait3A_97] : memref<10240x128xf32, #tpu.memory_space<vmem_shared>> -> memref<10240x128xf32, #tpu.memory_space<vmem_shared>>
        tpu.wait_indirect_dma semaphore(%arg12 : memref<!tpu.dma_semaphore, #tpu.memory_space<semaphore_mem>>) src(%dma_wait3A_92 : memref<80x128xf32, #tpu.memory_space<vmem>>) dst(%dma_wait3A_98 : memref<10240x128xf32, #tpu.memory_space<vmem_shared>>)
      } else {
      }
      %lt3A = arith.constant 124 : i32
      %lt3A_64 = arith.cmpi slt, %scan3A_53, %lt3A : i32
      %convert_element_type3A_65 = arith.extui %lt3A_64 : i1 to i32
      %cond3A_66 = arith.constant 0 : i32
      %cond3A_67 = arith.cmpi ne, %convert_element_type3A_65, %cond3A_66 : i32
      scf.if %cond3A_67 {
        %add3A_89 = arith.constant 1 : i32
        %add3A_90 = arith.addi %scan3A_53, %add3A_89 : i32
        %mul3A_91 = arith.constant 80 : i32
        %mul3A_92 = arith.muli %add3A_90, %mul3A_91 : i32
        %add3A_93 = arith.addi %mul3A_2, %mul3A_92 : i32
        "tpu.region"() ({
          %run_scoped3A_109 = tpu.sem_alloc : memref<!tpu.dma_semaphore, #tpu.memory_space<semaphore_mem>>
          %dma_start3A_110 = arith.constant 0 : i32
          %dma_start3A_111 = tpu.memref_slice %arg7[%rem3A_59, %dma_start3A_110] : memref<3x80xi32, #tpu.memory_space<vmem>> -> memref<1x80xi32, #tpu.memory_space<vmem>>
          %dma_start3A_112 = tpu.memref_squeeze %dma_start3A_111 : memref<1x80xi32, #tpu.memory_space<vmem>> -> memref<80xi32, #tpu.memory_space<vmem>>
          %dma_start3A_113 = tpu.memref_slice %arg3[%add3A_93] : memref<320000xi32, #tpu.memory_space<hbm>> -> memref<80xi32, #tpu.memory_space<hbm>>
          %dma_start3A_114 = arith.constant 0 : i32
          %dma_start3A_115 = tpu.memref_slice %arg7[%rem3A_59, %dma_start3A_114] : memref<3x80xi32, #tpu.memory_space<vmem>> -> memref<1x80xi32, #tpu.memory_space<vmem>>
          %dma_start3A_116 = tpu.memref_squeeze %dma_start3A_115 : memref<1x80xi32, #tpu.memory_space<vmem>> -> memref<80xi32, #tpu.memory_space<vmem>>
          %dma_start3A_117 = tpu.memref_slice %arg3[%add3A_93] : memref<320000xi32, #tpu.memory_space<hbm>> -> memref<80xi32, #tpu.memory_space<hbm>>
          tpu.enqueue_dma source(%dma_start3A_117 : memref<80xi32, #tpu.memory_space<hbm>>) target(%dma_start3A_116 : memref<80xi32, #tpu.memory_space<vmem>>) target_semaphore(%run_scoped3A_109 : memref<!tpu.dma_semaphore, #tpu.memory_space<semaphore_mem>>)
          %dma_wait3A_118 = arith.constant 0 : i32
          %dma_wait3A_119 = tpu.memref_slice %arg7[%rem3A_59, %dma_wait3A_118] : memref<3x80xi32, #tpu.memory_space<vmem>> -> memref<1x80xi32, #tpu.memory_space<vmem>>
          %dma_wait3A_120 = tpu.memref_squeeze %dma_wait3A_119 : memref<1x80xi32, #tpu.memory_space<vmem>> -> memref<80xi32, #tpu.memory_space<vmem>>
          %dma_wait3A_121 = tpu.memref_slice %arg3[%add3A_93] : memref<320000xi32, #tpu.memory_space<hbm>> -> memref<80xi32, #tpu.memory_space<hbm>>
          %dma_wait3A_122 = arith.constant 0 : i32
          %dma_wait3A_123 = tpu.memref_slice %arg7[%rem3A_59, %dma_wait3A_122] : memref<3x80xi32, #tpu.memory_space<vmem>> -> memref<1x80xi32, #tpu.memory_space<vmem>>
          %dma_wait3A_124 = tpu.memref_squeeze %dma_wait3A_123 : memref<1x80xi32, #tpu.memory_space<vmem>> -> memref<80xi32, #tpu.memory_space<vmem>>
          %dma_wait3A_125 = tpu.memref_slice %arg3[%add3A_93] : memref<320000xi32, #tpu.memory_space<hbm>> -> memref<80xi32, #tpu.memory_space<hbm>>
          tpu.wait_dma2 semaphore(%run_scoped3A_109 : memref<!tpu.dma_semaphore, #tpu.memory_space<semaphore_mem>>) src(%dma_wait3A_125 : memref<80xi32, #tpu.memory_space<hbm>>) dst(%dma_wait3A_124 : memref<80xi32, #tpu.memory_space<vmem>>)
          tpu.yield
        }) : () -> ()
        %add3A_94 = arith.constant 1 : i32
        %add3A_95 = arith.addi %scan3A_53, %add3A_94 : i32
        %mul3A_96 = arith.constant 80 : i32
        %mul3A_97 = arith.muli %add3A_95, %mul3A_96 : i32
        %add3A_98 = arith.addi %mul3A_2, %mul3A_97 : i32
        "tpu.region"() ({
          %run_scoped3A_109 = tpu.sem_alloc : memref<!tpu.dma_semaphore, #tpu.memory_space<semaphore_mem>>
          %dma_start3A_110 = arith.constant 0 : i32
          %dma_start3A_111 = tpu.memref_slice %arg8[%rem3A_59, %dma_start3A_110] : memref<3x80xi32, #tpu.memory_space<vmem>> -> memref<1x80xi32, #tpu.memory_space<vmem>>
          %dma_start3A_112 = tpu.memref_squeeze %dma_start3A_111 : memref<1x80xi32, #tpu.memory_space<vmem>> -> memref<80xi32, #tpu.memory_space<vmem>>
          %dma_start3A_113 = tpu.memref_slice %arg4[%add3A_98] : memref<320000xi32, #tpu.memory_space<hbm>> -> memref<80xi32, #tpu.memory_space<hbm>>
          %dma_start3A_114 = arith.constant 0 : i32
          %dma_start3A_115 = tpu.memref_slice %arg8[%rem3A_59, %dma_start3A_114] : memref<3x80xi32, #tpu.memory_space<vmem>> -> memref<1x80xi32, #tpu.memory_space<vmem>>
          %dma_start3A_116 = tpu.memref_squeeze %dma_start3A_115 : memref<1x80xi32, #tpu.memory_space<vmem>> -> memref<80xi32, #tpu.memory_space<vmem>>
          %dma_start3A_117 = tpu.memref_slice %arg4[%add3A_98] : memref<320000xi32, #tpu.memory_space<hbm>> -> memref<80xi32, #tpu.memory_space<hbm>>
          tpu.enqueue_dma source(%dma_start3A_117 : memref<80xi32, #tpu.memory_space<hbm>>) target(%dma_start3A_116 : memref<80xi32, #tpu.memory_space<vmem>>) target_semaphore(%run_scoped3A_109 : memref<!tpu.dma_semaphore, #tpu.memory_space<semaphore_mem>>)
          %dma_wait3A_118 = arith.constant 0 : i32
          %dma_wait3A_119 = tpu.memref_slice %arg8[%rem3A_59, %dma_wait3A_118] : memref<3x80xi32, #tpu.memory_space<vmem>> -> memref<1x80xi32, #tpu.memory_space<vmem>>
          %dma_wait3A_120 = tpu.memref_squeeze %dma_wait3A_119 : memref<1x80xi32, #tpu.memory_space<vmem>> -> memref<80xi32, #tpu.memory_space<vmem>>
          %dma_wait3A_121 = tpu.memref_slice %arg4[%add3A_98] : memref<320000xi32, #tpu.memory_space<hbm>> -> memref<80xi32, #tpu.memory_space<hbm>>
          %dma_wait3A_122 = arith.constant 0 : i32
          %dma_wait3A_123 = tpu.memref_slice %arg8[%rem3A_59, %dma_wait3A_122] : memref<3x80xi32, #tpu.memory_space<vmem>> -> memref<1x80xi32, #tpu.memory_space<vmem>>
          %dma_wait3A_124 = tpu.memref_squeeze %dma_wait3A_123 : memref<1x80xi32, #tpu.memory_space<vmem>> -> memref<80xi32, #tpu.memory_space<vmem>>
          %dma_wait3A_125 = tpu.memref_slice %arg4[%add3A_98] : memref<320000xi32, #tpu.memory_space<hbm>> -> memref<80xi32, #tpu.memory_space<hbm>>
          tpu.wait_dma2 semaphore(%run_scoped3A_109 : memref<!tpu.dma_semaphore, #tpu.memory_space<semaphore_mem>>) src(%dma_wait3A_125 : memref<80xi32, #tpu.memory_space<hbm>>) dst(%dma_wait3A_124 : memref<80xi32, #tpu.memory_space<vmem>>)
          tpu.yield
        }) : () -> ()
        %dma_start3A_99 = arith.constant 0 : i32
        %dma_start3A_100 = arith.constant 0 : i32
        %dma_start3A_101 = tpu.memref_slice %arg9[%rem3A_59, %dma_start3A_99, %dma_start3A_100] : memref<3x80x128xf32, #tpu.memory_space<vmem>> -> memref<1x80x128xf32, #tpu.memory_space<vmem>>
        %dma_start3A_102 = tpu.memref_squeeze %dma_start3A_101 : memref<1x80x128xf32, #tpu.memory_space<vmem>> -> memref<80x128xf32, #tpu.memory_space<vmem>>
        %dma_start3A_103 = arith.constant 0 : i32
        %dma_start3A_104 = tpu.memref_slice %arg7[%rem3A_59, %dma_start3A_103] : memref<3x80xi32, #tpu.memory_space<vmem>> -> memref<1x80xi32, #tpu.memory_space<vmem>>
        %dma_start3A_105 = tpu.memref_squeeze %dma_start3A_104 : memref<1x80xi32, #tpu.memory_space<vmem>> -> memref<80xi32, #tpu.memory_space<vmem>>
        %dma_start3A_106 = arith.constant 0 : i32
        %dma_start3A_107 = arith.constant 0 : i32
        %dma_start3A_108 = tpu.memref_slice %arg2[%dma_start3A_106, %dma_start3A_107] : memref<10240x128xf32, #tpu.memory_space<hbm>> -> memref<10240x128xf32, #tpu.memory_space<hbm>>
        tpu.enqueue_indirect_dma source(%dma_start3A_108 : memref<10240x128xf32, #tpu.memory_space<hbm>>) target(%dma_start3A_102 : memref<80x128xf32, #tpu.memory_space<vmem>>) offsets(%dma_start3A_105 : memref<80xi32, #tpu.memory_space<vmem>>) semaphore(%arg11 : memref<!tpu.dma_semaphore, #tpu.memory_space<semaphore_mem>>)
      } else {
      }
      %dma_wait3A_68 = arith.constant 0 : i32
      %dma_wait3A_69 = arith.constant 0 : i32
      %dma_wait3A_70 = tpu.memref_slice %arg9[%rem3A_55, %dma_wait3A_68, %dma_wait3A_69] : memref<3x80x128xf32, #tpu.memory_space<vmem>> -> memref<1x80x128xf32, #tpu.memory_space<vmem>>
      %dma_wait3A_71 = tpu.memref_squeeze %dma_wait3A_70 : memref<1x80x128xf32, #tpu.memory_space<vmem>> -> memref<80x128xf32, #tpu.memory_space<vmem>>
      %dma_wait3A_72 = arith.constant 0 : i32
      %dma_wait3A_73 = tpu.memref_slice %arg7[%rem3A_55, %dma_wait3A_72] : memref<3x80xi32, #tpu.memory_space<vmem>> -> memref<1x80xi32, #tpu.memory_space<vmem>>
      %dma_wait3A_74 = tpu.memref_squeeze %dma_wait3A_73 : memref<1x80xi32, #tpu.memory_space<vmem>> -> memref<80xi32, #tpu.memory_space<vmem>>
      %dma_wait3A_75 = arith.constant 0 : i32
      %dma_wait3A_76 = arith.constant 0 : i32
      %dma_wait3A_77 = tpu.memref_slice %arg2[%dma_wait3A_75, %dma_wait3A_76] : memref<10240x128xf32, #tpu.memory_space<hbm>> -> memref<10240x128xf32, #tpu.memory_space<hbm>>
      tpu.wait_indirect_dma semaphore(%arg11 : memref<!tpu.dma_semaphore, #tpu.memory_space<semaphore_mem>>) src(%dma_wait3A_77 : memref<10240x128xf32, #tpu.memory_space<hbm>>) dst(%dma_wait3A_71 : memref<80x128xf32, #tpu.memory_space<vmem>>)
      %dma_start3A_78 = arith.constant 0 : i32
      %dma_start3A_79 = arith.constant 0 : i32
      %dma_start3A_80 = tpu.memref_slice %arg9[%rem3A_55, %dma_start3A_78, %dma_start3A_79] : memref<3x80x128xf32, #tpu.memory_space<vmem>> -> memref<1x80x128xf32, #tpu.memory_space<vmem>>
      %dma_start3A_81 = tpu.memref_squeeze %dma_start3A_80 : memref<1x80x128xf32, #tpu.memory_space<vmem>> -> memref<80x128xf32, #tpu.memory_space<vmem>>
      %dma_start3A_82 = arith.constant 0 : i32
      %dma_start3A_83 = tpu.memref_slice %arg8[%rem3A_55, %dma_start3A_82] : memref<3x80xi32, #tpu.memory_space<vmem>> -> memref<1x80xi32, #tpu.memory_space<vmem>>
      %dma_start3A_84 = tpu.memref_squeeze %dma_start3A_83 : memref<1x80xi32, #tpu.memory_space<vmem>> -> memref<80xi32, #tpu.memory_space<vmem>>
      %dma_start3A_85 = arith.constant 0 : i32
      %dma_start3A_86 = arith.constant 0 : i32
      %dma_start3A_87 = tpu.memref_slice %arg10[%dma_start3A_85, %dma_start3A_86] : memref<10240x128xf32, #tpu.memory_space<vmem_shared>> -> memref<10240x128xf32, #tpu.memory_space<vmem_shared>>
      tpu.enqueue_indirect_dma source(%dma_start3A_81 : memref<80x128xf32, #tpu.memory_space<vmem>>) target(%dma_start3A_87 : memref<10240x128xf32, #tpu.memory_space<vmem_shared>>) offsets(%dma_start3A_84 : memref<80xi32, #tpu.memory_space<vmem>>) semaphore(%arg12 : memref<!tpu.dma_semaphore, #tpu.memory_space<semaphore_mem>>) {add = true}
      %scan3A_88 = arith.constant 0 : i32
      scf.yield %scan3A_88 : i32
    }
    %scan3A_28 = arith.constant 125 : i32
    %dma_wait3A = arith.constant 0 : i32
    %dma_wait3A_29 = arith.constant 0 : i32
    %dma_wait3A_30 = arith.constant 0 : i32
    %dma_wait3A_31 = arith.constant 0 : i32
    %dma_wait3A_32 = tpu.memref_slice %arg9[%dma_wait3A, %dma_wait3A_30, %dma_wait3A_31] : memref<3x80x128xf32, #tpu.memory_space<vmem>> -> memref<1x80x128xf32, #tpu.memory_space<vmem>>
    %dma_wait3A_33 = tpu.memref_squeeze %dma_wait3A_32 : memref<1x80x128xf32, #tpu.memory_space<vmem>> -> memref<80x128xf32, #tpu.memory_space<vmem>>
    %dma_wait3A_34 = arith.constant 0 : i32
    %dma_wait3A_35 = tpu.memref_slice %arg8[%dma_wait3A_29, %dma_wait3A_34] : memref<3x80xi32, #tpu.memory_space<vmem>> -> memref<1x80xi32, #tpu.memory_space<vmem>>
    %dma_wait3A_36 = tpu.memref_squeeze %dma_wait3A_35 : memref<1x80xi32, #tpu.memory_space<vmem>> -> memref<80xi32, #tpu.memory_space<vmem>>
    %dma_wait3A_37 = arith.constant 0 : i32
    %dma_wait3A_38 = arith.constant 0 : i32
    %dma_wait3A_39 = tpu.memref_slice %arg10[%dma_wait3A_37, %dma_wait3A_38] : memref<10240x128xf32, #tpu.memory_space<vmem_shared>> -> memref<10240x128xf32, #tpu.memory_space<vmem_shared>>
    tpu.wait_indirect_dma semaphore(%arg12 : memref<!tpu.dma_semaphore, #tpu.memory_space<semaphore_mem>>) src(%dma_wait3A_33 : memref<80x128xf32, #tpu.memory_space<vmem>>) dst(%dma_wait3A_39 : memref<10240x128xf32, #tpu.memory_space<vmem_shared>>)
    %dma_wait3A_40 = arith.constant 1 : i32
    %dma_wait3A_41 = arith.constant 1 : i32
    %dma_wait3A_42 = arith.constant 0 : i32
    %dma_wait3A_43 = arith.constant 0 : i32
    %dma_wait3A_44 = tpu.memref_slice %arg9[%dma_wait3A_40, %dma_wait3A_42, %dma_wait3A_43] : memref<3x80x128xf32, #tpu.memory_space<vmem>> -> memref<1x80x128xf32, #tpu.memory_space<vmem>>
    %dma_wait3A_45 = tpu.memref_squeeze %dma_wait3A_44 : memref<1x80x128xf32, #tpu.memory_space<vmem>> -> memref<80x128xf32, #tpu.memory_space<vmem>>
    %dma_wait3A_46 = arith.constant 0 : i32
    %dma_wait3A_47 = tpu.memref_slice %arg8[%dma_wait3A_41, %dma_wait3A_46] : memref<3x80xi32, #tpu.memory_space<vmem>> -> memref<1x80xi32, #tpu.memory_space<vmem>>
    %dma_wait3A_48 = tpu.memref_squeeze %dma_wait3A_47 : memref<1x80xi32, #tpu.memory_space<vmem>> -> memref<80xi32, #tpu.memory_space<vmem>>
    %dma_wait3A_49 = arith.constant 0 : i32
    %dma_wait3A_50 = arith.constant 0 : i32
    %dma_wait3A_51 = tpu.memref_slice %arg10[%dma_wait3A_49, %dma_wait3A_50] : memref<10240x128xf32, #tpu.memory_space<vmem_shared>> -> memref<10240x128xf32, #tpu.memory_space<vmem_shared>>
    tpu.wait_indirect_dma semaphore(%arg12 : memref<!tpu.dma_semaphore, #tpu.memory_space<semaphore_mem>>) src(%dma_wait3A_45 : memref<80x128xf32, #tpu.memory_space<vmem>>) dst(%dma_wait3A_51 : memref<10240x128xf32, #tpu.memory_space<vmem_shared>>)
    %barrier3A_52 = arith.constant 0 : index
    tpu.barrier barrier_id(%barrier3A_52)
    "tpu.region"() ({
      %run_scoped3A_53 = tpu.sem_alloc : memref<!tpu.dma_semaphore, #tpu.memory_space<semaphore_mem>>
      %dma_start3A_54 = arith.constant 0 : i32
      %dma_start3A_55 = tpu.memref_slice %arg6[%arg0, %mul3A_4, %dma_start3A_54] : memref<2x10240x128xf32, #tpu.memory_space<hbm>> -> memref<1x640x128xf32, #tpu.memory_space<hbm>>
      %dma_start3A_56 = tpu.memref_squeeze %dma_start3A_55 : memref<1x640x128xf32, #tpu.memory_space<hbm>> -> memref<640x128xf32, #tpu.memory_space<hbm>>
      %dma_start3A_57 = arith.constant 0 : i32
      %dma_start3A_58 = tpu.memref_slice %arg10[%mul3A_4, %dma_start3A_57] : memref<10240x128xf32, #tpu.memory_space<vmem_shared>> -> memref<640x128xf32, #tpu.memory_space<vmem_shared>>
      tpu.enqueue_dma source(%dma_start3A_58 : memref<640x128xf32, #tpu.memory_space<vmem_shared>>) target(%dma_start3A_56 : memref<640x128xf32, #tpu.memory_space<hbm>>) target_semaphore(%run_scoped3A_53 : memref<!tpu.dma_semaphore, #tpu.memory_space<semaphore_mem>>)
      %dma_wait3A_59 = arith.constant 0 : i32
      %dma_wait3A_60 = tpu.memref_slice %arg6[%arg0, %mul3A_4, %dma_wait3A_59] : memref<2x10240x128xf32, #tpu.memory_space<hbm>> -> memref<1x640x128xf32, #tpu.memory_space<hbm>>
      %dma_wait3A_61 = tpu.memref_squeeze %dma_wait3A_60 : memref<1x640x128xf32, #tpu.memory_space<hbm>> -> memref<640x128xf32, #tpu.memory_space<hbm>>
      %dma_wait3A_62 = arith.constant 0 : i32
      %dma_wait3A_63 = tpu.memref_slice %arg10[%mul3A_4, %dma_wait3A_62] : memref<10240x128xf32, #tpu.memory_space<vmem_shared>> -> memref<640x128xf32, #tpu.memory_space<vmem_shared>>
      tpu.wait_dma2 semaphore(%run_scoped3A_53 : memref<!tpu.dma_semaphore, #tpu.memory_space<semaphore_mem>>) src(%dma_wait3A_63 : memref<640x128xf32, #tpu.memory_space<vmem_shared>>) dst(%dma_wait3A_61 : memref<640x128xf32, #tpu.memory_space<hbm>>)
      tpu.yield
    }) : () -> ()
    return
  }
}

module attributes {stable_mosaic.version = 14 : i64} {
  func.func @_mm0_body(%arg0: memref<10000x128xf32, #tpu.memory_space<vmem>>, %arg1: memref<128x128xf32, #tpu.memory_space<vmem>>, %arg2: memref<10000x128xf32, #tpu.memory_space<vmem>>) attributes {dimension_semantics = [], scalar_prefetch = 0 : i64, scratch_operands = 0 : i64, tpu.core_type = #tpu.core_type<tc>} {
    %get3A = arith.constant 0 : index
    %get3A_0 = arith.constant 0 : index
    %get3A_1 = vector.load %arg0[%get3A, %get3A_0] : memref<10000x128xf32, #tpu.memory_space<vmem>>, vector<10000x128xf32>
    %get3A_2 = arith.constant 0 : index
    %get3A_3 = arith.constant 0 : index
    %get3A_4 = vector.load %arg1[%get3A_2, %get3A_3] : memref<128x128xf32, #tpu.memory_space<vmem>>, vector<128x128xf32>
    %dot_general3A = arith.constant dense<0.000000e+00> : vector<10000x128xf32>
    %dot_general3A_5 = tpu.matmul %get3A_1, %get3A_4, %dot_general3A {dimension_numbers = #tpu.dot_dimension_numbers<[1], [0], [0], [1], [0, 0, 1, 1], [], []>, transpose_lhs_hint = false} : vector<10000x128xf32>, vector<128x128xf32>, vector<10000x128xf32> -> vector<10000x128xf32>
    %swap3A = arith.constant 0 : index
    %swap3A_6 = arith.constant 0 : index
    %swap3A_7 = vector.load %arg2[%swap3A, %swap3A_6] : memref<10000x128xf32, #tpu.memory_space<vmem>>, vector<10000x128xf32>
    tpu.vector_store %arg2[%swap3A, %swap3A_6], %dot_general3A_5 {strides = array<i32>} : memref<10000x128xf32, #tpu.memory_space<vmem>>, vector<10000x128xf32>,
    return
  }
}

module attributes {stable_mosaic.version = 14 : i64} {
  func.func @_scale0_body(%arg0: memref<10000x128xf32, #tpu.memory_space<vmem>>, %arg1: memref<2x10240x128xf32, #tpu.memory_space<vmem>>, %arg2: memref<10240x128xf32, #tpu.memory_space<vmem>>, %arg3: memref<10000x1xf32, #tpu.memory_space<vmem>>) attributes {dimension_semantics = [], scalar_prefetch = 0 : i64, scratch_operands = 0 : i64, tpu.core_type = #tpu.core_type<tc>} {
    %get3A = arith.constant 0 : index
    %get3A_0 = arith.constant 0 : index
    %get3A_1 = arith.constant 0 : index
    %get3A_2 = vector.load %arg1[%get3A, %get3A_0, %get3A_1] : memref<2x10240x128xf32, #tpu.memory_space<vmem>>, vector<1x10000x128xf32>
    %get3A_3 = vector.shape_cast %get3A_2 : vector<1x10000x128xf32> to vector<10000x128xf32>
    %get3A_4 = arith.constant 1 : index
    %get3A_5 = arith.constant 0 : index
    %get3A_6 = arith.constant 0 : index
    %get3A_7 = vector.load %arg1[%get3A_4, %get3A_5, %get3A_6] : memref<2x10240x128xf32, #tpu.memory_space<vmem>>, vector<1x10000x128xf32>
    %get3A_8 = vector.shape_cast %get3A_7 : vector<1x10000x128xf32> to vector<10000x128xf32>
    %add3A = arith.addf %get3A_3, %get3A_8 : vector<10000x128xf32>
    %reduce_max3A = arith.constant dense<0xFF800000> : vector<10000xf32>
    %reduce_max3A_9 = vector.multi_reduction <maximumf>, %add3A, %reduce_max3A [1] : vector<10000x128xf32> to vector<10000xf32>
    %broadcast_in_dim3A = vector.shape_cast %reduce_max3A_9 : vector<10000xf32> to vector<10000x1xf32>
    %rsqrt3A = math.rsqrt %broadcast_in_dim3A : vector<10000x1xf32>
    %swap3A = arith.constant 0 : index
    %swap3A_10 = arith.constant 0 : index
    %swap3A_11 = vector.load %arg3[%swap3A, %swap3A_10] : memref<10000x1xf32, #tpu.memory_space<vmem>>, vector<10000x1xf32>
    tpu.vector_store %arg3[%swap3A, %swap3A_10], %rsqrt3A {strides = array<i32>} : memref<10000x1xf32, #tpu.memory_space<vmem>>, vector<10000x1xf32>,
    %get3A_12 = arith.constant 0 : index
    %get3A_13 = arith.constant 0 : index
    %get3A_14 = vector.load %arg0[%get3A_12, %get3A_13] : memref<10000x128xf32, #tpu.memory_space<vmem>>, vector<10000x128xf32>
    %mul3A = vector.broadcast %rsqrt3A : vector<10000x1xf32> to vector<10000x128xf32>
    %mul3A_15 = arith.mulf %get3A_14, %mul3A : vector<10000x128xf32>
    %swap3A_16 = arith.constant 0 : index
    %swap3A_17 = arith.constant 0 : index
    %swap3A_18 = vector.load %arg2[%swap3A_16, %swap3A_17] : memref<10240x128xf32, #tpu.memory_space<vmem>>, vector<10000x128xf32>
    tpu.vector_store %arg2[%swap3A_16, %swap3A_17], %mul3A_15 {strides = array<i32>} : memref<10240x128xf32, #tpu.memory_space<vmem>>, vector<10000x128xf32>,
    %broadcast_in_dim3A_19 = arith.constant 0.000000e+00 : f32
    %broadcast_in_dim3A_20 = vector.broadcast %broadcast_in_dim3A_19 : f32 to vector<240x128xf32>
    %swap3A_21 = arith.constant 10000 : index
    %swap3A_22 = arith.constant 0 : index
    %swap3A_23 = vector.load %arg2[%swap3A_21, %swap3A_22] : memref<10240x128xf32, #tpu.memory_space<vmem>>, vector<240x128xf32>
    tpu.vector_store %arg2[%swap3A_21, %swap3A_22], %broadcast_in_dim3A_20 {strides = array<i32>} : memref<10240x128xf32, #tpu.memory_space<vmem>>, vector<240x128xf32>,
    return
  }
}

module attributes {stable_mosaic.version = 14 : i64} {
  func.func @_dense1_body(%arg0: memref<2x10240x128xf32, #tpu.memory_space<vmem>>, %arg1: memref<10000x1xf32, #tpu.memory_space<vmem>>, %arg2: memref<1x128xf32, #tpu.memory_space<vmem>>, %arg3: memref<128x128xf32, #tpu.memory_space<vmem>>, %arg4: memref<10240x128xf32, #tpu.memory_space<vmem>>) attributes {dimension_semantics = [], scalar_prefetch = 0 : i64, scratch_operands = 0 : i64, tpu.core_type = #tpu.core_type<tc>} {
    %get3A = arith.constant 0 : index
    %get3A_0 = arith.constant 0 : index
    %get3A_1 = vector.load %arg1[%get3A, %get3A_0] : memref<10000x1xf32, #tpu.memory_space<vmem>>, vector<10000x1xf32>
    %get3A_2 = arith.constant 0 : index
    %get3A_3 = arith.constant 0 : index
    %get3A_4 = arith.constant 0 : index
    %get3A_5 = vector.load %arg0[%get3A_2, %get3A_3, %get3A_4] : memref<2x10240x128xf32, #tpu.memory_space<vmem>>, vector<1x10000x128xf32>
    %get3A_6 = vector.shape_cast %get3A_5 : vector<1x10000x128xf32> to vector<10000x128xf32>
    %get3A_7 = arith.constant 1 : index
    %get3A_8 = arith.constant 0 : index
    %get3A_9 = arith.constant 0 : index
    %get3A_10 = vector.load %arg0[%get3A_7, %get3A_8, %get3A_9] : memref<2x10240x128xf32, #tpu.memory_space<vmem>>, vector<1x10000x128xf32>
    %get3A_11 = vector.shape_cast %get3A_10 : vector<1x10000x128xf32> to vector<10000x128xf32>
    %add3A = arith.addf %get3A_6, %get3A_11 : vector<10000x128xf32>
    %mul3A = vector.broadcast %get3A_1 : vector<10000x1xf32> to vector<10000x128xf32>
    %mul3A_12 = arith.mulf %add3A, %mul3A : vector<10000x128xf32>
    %get3A_13 = arith.constant 0 : index
    %get3A_14 = arith.constant 0 : index
    %get3A_15 = vector.load %arg2[%get3A_13, %get3A_14] : memref<1x128xf32, #tpu.memory_space<vmem>>, vector<1x128xf32>
    %add3A_16 = vector.broadcast %get3A_15 : vector<1x128xf32> to vector<10000x128xf32>
    %add3A_17 = arith.addf %mul3A_12, %add3A_16 : vector<10000x128xf32>
    %gt3A = arith.constant 0.000000e+00 : f32
    %gt3A_18 = vector.broadcast %gt3A : f32 to vector<10000x128xf32>
    %gt3A_19 = arith.cmpf ogt, %add3A_17, %gt3A_18 : vector<10000x128xf32>
    %mul3A_20 = arith.constant 0.00999999977 : f32
    %mul3A_21 = vector.broadcast %mul3A_20 : f32 to vector<10000x128xf32>
    %mul3A_22 = arith.mulf %mul3A_21, %add3A_17 : vector<10000x128xf32>
    %select_n3A = arith.select %gt3A_19, %add3A_17, %mul3A_22 : vector<10000x128xi1>, vector<10000x128xf32>
    %get3A_23 = arith.constant 0 : index
    %get3A_24 = arith.constant 0 : index
    %get3A_25 = vector.load %arg3[%get3A_23, %get3A_24] : memref<128x128xf32, #tpu.memory_space<vmem>>, vector<128x128xf32>
    %dot_general3A = arith.constant dense<0.000000e+00> : vector<10000x128xf32>
    %dot_general3A_26 = tpu.matmul %select_n3A, %get3A_25, %dot_general3A {dimension_numbers = #tpu.dot_dimension_numbers<[1], [0], [0], [1], [0, 0, 1, 1], [], []>, transpose_lhs_hint = false} : vector<10000x128xf32>, vector<128x128xf32>, vector<10000x128xf32> -> vector<10000x128xf32>
    %mul3A_27 = vector.broadcast %get3A_1 : vector<10000x1xf32> to vector<10000x128xf32>
    %mul3A_28 = arith.mulf %dot_general3A_26, %mul3A_27 : vector<10000x128xf32>
    %swap3A = arith.constant 0 : index
    %swap3A_29 = arith.constant 0 : index
    %swap3A_30 = vector.load %arg4[%swap3A, %swap3A_29] : memref<10240x128xf32, #tpu.memory_space<vmem>>, vector<10000x128xf32>
    tpu.vector_store %arg4[%swap3A, %swap3A_29], %mul3A_28 {strides = array<i32>} : memref<10240x128xf32, #tpu.memory_space<vmem>>, vector<10000x128xf32>,
    %broadcast_in_dim3A = arith.constant 0.000000e+00 : f32
    %broadcast_in_dim3A_31 = vector.broadcast %broadcast_in_dim3A : f32 to vector<240x128xf32>
    %swap3A_32 = arith.constant 10000 : index
    %swap3A_33 = arith.constant 0 : index
    %swap3A_34 = vector.load %arg4[%swap3A_32, %swap3A_33] : memref<10240x128xf32, #tpu.memory_space<vmem>>, vector<240x128xf32>
    tpu.vector_store %arg4[%swap3A_32, %swap3A_33], %broadcast_in_dim3A_31 {strides = array<i32>} : memref<10240x128xf32, #tpu.memory_space<vmem>>, vector<240x128xf32>,
    return
  }
}

module attributes {stable_mosaic.version = 14 : i64} {
  func.func @_dense2_body(%arg0: memref<2x10240x128xf32, #tpu.memory_space<vmem>>, %arg1: memref<10000x1xf32, #tpu.memory_space<vmem>>, %arg2: memref<1x128xf32, #tpu.memory_space<vmem>>, %arg3: memref<10000x128xf32, #tpu.memory_space<vmem>>) attributes {dimension_semantics = [], scalar_prefetch = 0 : i64, scratch_operands = 0 : i64, tpu.core_type = #tpu.core_type<tc>} {
    %get3A = arith.constant 0 : index
    %get3A_0 = arith.constant 0 : index
    %get3A_1 = arith.constant 0 : index
    %get3A_2 = vector.load %arg0[%get3A, %get3A_0, %get3A_1] : memref<2x10240x128xf32, #tpu.memory_space<vmem>>, vector<1x10000x128xf32>
    %get3A_3 = vector.shape_cast %get3A_2 : vector<1x10000x128xf32> to vector<10000x128xf32>
    %get3A_4 = arith.constant 1 : index
    %get3A_5 = arith.constant 0 : index
    %get3A_6 = arith.constant 0 : index
    %get3A_7 = vector.load %arg0[%get3A_4, %get3A_5, %get3A_6] : memref<2x10240x128xf32, #tpu.memory_space<vmem>>, vector<1x10000x128xf32>
    %get3A_8 = vector.shape_cast %get3A_7 : vector<1x10000x128xf32> to vector<10000x128xf32>
    %add3A = arith.addf %get3A_3, %get3A_8 : vector<10000x128xf32>
    %get3A_9 = arith.constant 0 : index
    %get3A_10 = arith.constant 0 : index
    %get3A_11 = vector.load %arg1[%get3A_9, %get3A_10] : memref<10000x1xf32, #tpu.memory_space<vmem>>, vector<10000x1xf32>
    %mul3A = vector.broadcast %get3A_11 : vector<10000x1xf32> to vector<10000x128xf32>
    %mul3A_12 = arith.mulf %add3A, %mul3A : vector<10000x128xf32>
    %get3A_13 = arith.constant 0 : index
    %get3A_14 = arith.constant 0 : index
    %get3A_15 = vector.load %arg2[%get3A_13, %get3A_14] : memref<1x128xf32, #tpu.memory_space<vmem>>, vector<1x128xf32>
    %add3A_16 = vector.broadcast %get3A_15 : vector<1x128xf32> to vector<10000x128xf32>
    %add3A_17 = arith.addf %mul3A_12, %add3A_16 : vector<10000x128xf32>
    %swap3A = arith.constant 0 : index
    %swap3A_18 = arith.constant 0 : index
    %swap3A_19 = vector.load %arg3[%swap3A, %swap3A_18] : memref<10000x128xf32, #tpu.memory_space<vmem>>, vector<10000x128xf32>
    tpu.vector_store %arg3[%swap3A, %swap3A_18], %add3A_17 {strides = array<i32>} : memref<10000x128xf32, #tpu.memory_space<vmem>>, vector<10000x128xf32>,
    return
  }
}

</mosaic_0001>

<sc_bundles>
// kernel: kernel.12.cloned.1.call-start
scs
__scs_entry_jumppad:
0x0: {  	(pc) =	sbr.rel $0x88, $3  }
0x1: {  	(tag) =	ssettag $0x0;
	lr =	simm.s32 $0x1  }
0x2: {  	[smem:$0x3F9B] =	sst lr;
	_ =	strace $0xD0000000  }
0x3: {  	_ = 	snop  }
0x4: {  	_ = 	snop  }
0x5: {  	_ = 	snop  }
0x6: {  	_ = 	snop  }
0x7: {  	_ = 	snop  }
__scs_overlays_trampoline_lowered:
0x8: {  	[smem:$0x3FAA] =	sst s0  }
0x9: {  	[smem:$0x3FAB] =	sst s1  }
0xa: {  	[smem:$0x3FAC] =	sst s2  }
0xb: {  	[smem:$0x3FAD] =	sst s3  }
0xc: {  	[smem:$0x3FAE] =	sst s4  }
0xd: {  	[smem:$0x3FAF] =	sst s5  }
0xe: {  	[smem:$0x3FB0] =	sst s6  }
0xf: {  	[smem:$0x3FB1] =	sst s7  }
0x10: {  	[smem:$0x3FB2] =	sst s8  }
0x11: {  	[smem:$0x3FB3] =	sst s9;
	s0 =	simm.s32 @!p0 $0x0  }
0x12: {  	s1 =	sld [smem:$0x3F99];
	s0 =	simm.s32 @p0 $0x1  }
0x13: {  	[smem:$0x3FB4] =	sst s0;
	s0 =	simm.s32 @!p1 $0x0  }
0x14: {  	s2 =	sld [smem:$0x3F98];
	s0 =	simm.s32 @p1 $0x1  }
0x15: {  	[smem:$0x3FB5] =	sst s0;
	s0 =	simm.s32 @!p2 $0x0  }
0x16: {  	s3 =	sld [smem:$0x3FDB];
	s0 =	simm.s32 @p2 $0x1  }
0x17: {  	s4 =	simm.s32 $0x1BF5;
	[smem:$0x3FB7] =	sst s0  }
0x18: {  	s0 =	sld [smem:$0x3F9A];
	_ =	swait.ge [sflag:s4], $0x0  }
0x19: {  	s7 =	sld [smem:$0x3F9B]  }
0x1a: {  	s8 =	sadd.s32 $0xFFFFE003, lr  }
0x1b: {  	s9 =	sadd.s32 $0xFFFFFEF7, lr;
	s5 =	simm.s32 $0xFFFFFFFF;
	p2 =	slt.u32 s8, $0xFFFFF086  }
0x1c: {  	p1 =	slt.u32 s9, $0xF7A;
	s5 =	simm.s32 @!p2 $0x0  }
0x1d: {  	s5 =	simm.s32 @p1 $0x1;
	p0 =	seq.s32 s7, s2  }
0x1e: {  	s7 =	smul.u32 @!p0 $0xF7A, s2;
	p2 =	seq.s32 @!p0 s5, $0x0  }
0x1f: {  	s9 =	smul.u32 $0xF7A, s1;
	s8 =	simm.s32 @!p0 $0x1BF5;
	p2 =	por !p2, p0  }
0x20: {  	[sflag:s8] =	ssyncset.s32 @!p0 $0xFFFFF086;
	s6 =	sadd.s32 @!p0 s3, s7;
	s7 =	simm.s32 @!p0 $0x108  }
0x21: {  	s3 =	sadd.s32 s3, s9;
	s6 =	sadd.s32 @!p0 $0x88, s6;
	s7 =	simm.s32 @p2 $0x1082  }
0x22: {  	[simem:s7], [sflag:s8] =	dma.local @!p0 [hbm:s6], $0xF7A  }
0x23: {  	s9 =	sor.u32 $0xD0000000, s2;
	s6 =	simm.s32 $0x108;
	_ =	swait.ge @!p0 [sflag:s8], $0x0  }
0x24: {  	s3 =	sadd.s32 $0x88, s3;
	s6 =	simm.s32 @!p1 $0x1082;
	[sflag:s4] =	ssyncset.s32 $0xFFFFF086  }
0x25: {  	[simem:s6], [sflag:s4] =	dma.local [hbm:s3], $0xF7A  }
0x26: {  	[smem:$0x3F9B] =	sst s1;
	(tag) =	ssettag s2;
	_ =	strace s9  }
0x27: {  	s1 =	sld [smem:$0x3FAB]  }
0x28: {  	s2 =	sld [smem:$0x3FAC]  }
0x29: {  	s4 =	sld [smem:$0x3FAE]  }
0x2a: {  	p0 =	seq.s32 s5, $0x0;
	s5 =	sld [smem:$0x3FAF]  }
0x2b: {  	s6 =	sld [smem:$0x3FB0]  }
0x2c: {  	s7 =	sld [smem:$0x3FB1]  }
0x2d: {  	s3 =	simm.s32 $0x108;
	s8 =	sld [smem:$0x3FB2]  }
0x2e: {  	s3 =	simm.s32 @!p0 $0x1082;
	s9 =	sld [smem:$0x3FB3]  }
0x2f: {  	lr =	sadd.s32 s0, s3;
	s0 =	sld [smem:$0x3FAA]  }
0x30: {  	s3 =	sld [smem:$0x3FAD]  }
0x31: {  	[smem:$0x3FB6] =	sst s10  }
0x32: {  	s10 =	sld [smem:$0x3FB4];
	_ =	sdelay $0x3  }
0x33: {  	p0 =	seq.s32 s10, $0x1;
	s10 =	sld [smem:$0x3FB6];
	_ =	sdelay $0x3  }
0x34: {  	[smem:$0x3FB6] =	sst s10  }
0x35: {  	s10 =	sld [smem:$0x3FB5];
	_ =	sdelay $0x3  }
0x36: {  	p1 =	seq.s32 s10, $0x1;
	s10 =	sld [smem:$0x3FB6];
	_ =	sdelay $0x3  }
0x37: {  	[smem:$0x3FB6] =	sst s10  }
0x38: {  	s10 =	sld [smem:$0x3FB7]  }
0x39: {  	_ = 	snop;
	(pc) =	sbr.ind lr, $3  }
0x3a: {  	_ = 	snop  }
0x3b: {  	_ = 	snop  }
0x3c: {  	p2 =	seq.s32 s10, $0x1;
	s10 =	sld [smem:$0x3FB6]  }
0x3d: {  	_ =	shalt  }
0x3e: {  	_ =	shalt  }
0x3f: {  	_ =	shalt  }
0x40: {  	_ =	shalt  }
0x41: {  	_ =	shalt  }
0x42: {  	_ =	shalt  }
0x43: {  	_ =	shalt  }
0x44: {  	_ =	shalt  }
0x45: {  	_ =	shalt  }
0x46: {  	_ =	shalt  }
0x47: {  	_ =	shalt  }
0x48: {  	_ =	shalt  }
0x49: {  	_ =	shalt  }
0x4a: {  	_ =	shalt  }
0x4b: {  	_ =	shalt  }
0x4c: {  	_ =	shalt  }
0x4d: {  	_ =	shalt  }
0x4e: {  	_ =	shalt  }
0x4f: {  	_ =	shalt  }
0x50: {  	_ =	shalt  }
0x51: {  	_ =	shalt  }
0x52: {  	_ =	shalt  }
0x53: {  	_ =	shalt  }
0x54: {  	_ =	shalt  }
0x55: {  	_ =	shalt  }
0x56: {  	_ =	shalt  }
0x57: {  	_ =	shalt  }
0x58: {  	_ =	shalt  }
0x59: {  	_ =	shalt  }
0x5a: {  	_ =	shalt  }
0x5b: {  	_ =	shalt  }
0x5c: {  	_ =	shalt  }
0x5d: {  	_ =	shalt  }
0x5e: {  	_ =	shalt  }
0x5f: {  	_ =	shalt  }
0x60: {  	_ =	shalt  }
0x61: {  	_ =	shalt  }
0x62: {  	_ =	shalt  }
0x63: {  	_ =	shalt  }
0x64: {  	_ =	shalt  }
0x65: {  	_ =	shalt  }
0x66: {  	_ =	shalt  }
0x67: {  	_ =	shalt  }
0x68: {  	_ =	shalt  }
0x69: {  	_ =	shalt  }
0x6a: {  	_ =	shalt  }
0x6b: {  	_ =	shalt  }
0x6c: {  	_ =	shalt  }
0x6d: {  	_ =	shalt  }
0x6e: {  	_ =	shalt  }
0x6f: {  	_ =	shalt  }
0x70: {  	_ =	shalt  }
0x71: {  	_ =	shalt  }
0x72: {  	_ =	shalt  }
0x73: {  	_ =	shalt  }
0x74: {  	_ =	shalt  }
0x75: {  	_ =	shalt  }
0x76: {  	_ =	shalt  }
0x77: {  	_ =	shalt  }
0x78: {  	_ =	shalt  }
0x79: {  	_ =	shalt  }
0x7a: {  	_ =	shalt  }
0x7b: {  	_ =	shalt  }
0x7c: {  	_ =	shalt  }
0x7d: {  	_ =	shalt  }
0x7e: {  	_ =	shalt  }
0x7f: {  	_ =	shalt  }
0x80: {  	_ =	shalt  }
0x81: {  	_ =	shalt  }
0x82: {  	_ =	shalt  }
0x83: {  	_ =	shalt  }
0x84: {  	_ =	shalt  }
0x85: {  	_ =	shalt  }
0x86: {  	_ =	shalt  }
0x87: {  	_ =	shalt  }
.Lfunc_end0:
.L_simem_size_0:
called_computation.1_lowered:
.L_overlay_start_0:
0x88: {  	s2 =	sld [smem:$0x3FD9]  }
0x89: {  	s3 =	sld [smem:$0x3FFE];
	_ =	sdelay $0x1  }
0x8a: {  	s1 =	srdreg.scid  }
0x8b: {  	s0 =	sand.u32 $0x1, s1  }
0x8c: {  	s17 =	sshll.u32 s0, $0xA;
	s2 =	sadd.s32 s3, s2  }
0x8d: {  	s2 =	sadd.s32 s2, s17  }
0x8e: {  	[smem:$0x3FC2] =	sst s2  }
0x8f: {  	_ = 	snop  }
0x90: {  	s2 =	sld [smem:$0x3FD0];
	(tm) =	ssettm $0x1  }
0x91: {  	s18 =	sld [smem:$0x3FFB];
	_ =	sdelay $0x3  }
0x92: {  	_ =	strace s18  }
0x93: {  	s3 =	sld [smem:$0x3FFC];
	_ =	sdelay $0x3  }
0x94: {  	_ =	strace s3  }
0x95: {  	s3 =	sld [smem:$0x3FFD];
	_ =	sdelay $0x3  }
0x96: {  	_ =	strace s3  }
0x97: {  	_ =	strace $0x8FFFFFFF  }
0x98: {  	s19 =	sld [smem:$0x3FDB];
	_ =	sdelay $0x1  }
0x99: {  	s4 =	simm.s32 $_scs_section_size  }
0x9a: {  	s5 =	simm.s32 $_size__tile_overlayer_lowered;
	s6 =	simm.s32 $_tile_overlayer_lowered  }
0x9b: {  	s22 =	simm.s32 $0x1BFF;
	s21 =	sshll.u32 s6, $0x1;
	s3 =	sadd.s32 s4, s19  }
0x9c: {  	s7 =	simm.s32 $0x0;
	s20 =	sshll.u32 s5, $0x1;
	s5 =	sadd.s32 s21, s3  }
0x9d: {  	[timem:s7], [sflag:s22] =	dma.local [hbm:s5], s20  }
0x9e: {  	_ =	swait.ge [sflag:s22], s20  }
0x9f: {  	s4 =	ssub.s32 $0x0, s20;
	[sflag:s22] =	ssyncset.done $0x0  }
0xa0: {  	[sflag:s22] =	ssyncadd.s32 s4;
	_ =	sdelay $0x1  }
0xa1: {  	s23 =	simm.s32 $0x1B8B  }
0xa2: {  	_ =	swait.ge [sflag:s23], $0x1  }
0xa3: {  	[sflag:s23] =	ssyncset.done $0x0  }
0xa4: {  	s25 =	simm.s32 $0x1B8E;
	s24 =	sld [smem:$0x3FFE];
	[sflag:s23] =	ssyncadd.s32 $0xFFFFFFFF  }
0xa5: {  	s26 =	simm.s32 $execute0_lowered;
	[smem:$0x3FD2] =	sst s25  }
0xa6: {  	s5 =	sshll.u32 s26, $0x1;
	_ =	strace $0x80000049;
	[dreg:$0x1] =	wrdreg $0xFFFFFFFF  }
0xa7: {  	s28 =	simm.s32 $_size_execute0_lowered;
	s3 =	sadd.s32 s3, s5;
	[dreg:$0x0] =	wrdreg $0x0  }
0xa8: {  	s5 =	sshll.u32 s28, $0x1;
	[dreg:$0x2] =	wrdreg s3  }
0xa9: {  	[dreg:$0x3] =	wrdreg s5  }
0xaa: {  	[dreg:$0x4] =	wrdreg $0xC0  }
0xab: {  	_ =	task [dreg:s7], $0x5FFFF  }
0xac: {  	[dreg:$0x1] =	wrdreg $0xFFFFFFFF  }
0xad: {  	[dreg:$0x0] =	wrdreg $0x60  }
0xae: {  	[dreg:$0x2] =	wrdreg s24  }
0xaf: {  	[dreg:$0x3] =	wrdreg s2  }
0xb0: {  	[dreg:$0x4] =	wrdreg $0x7C000  }
0xb1: {  	[dreg:$0x5] =	wrdreg $0x9  }
0xb2: {  	_ =	task.clear_ibuf [dreg:s7], $0x6FFFF;
	_ =	strace $0x90000049  }
0xb3: {  	s29 =	simm.s32 $0x9;
	_ =	strace $0x8000004B  }
0xb4: {  	_ =	swait.ge [sflag:s29], $0x1  }
0xb5: {  	[sflag:s29] =	ssyncadd.s32 $0xFFFFFFFF  }
0xb6: {  	_ =	strace $0x9000004B  }
0xb7: {  	_ =	sfence  }
0xb8: {  	s30 =	sld [smem:$0x0];
	_ =	sdelay $0x2  }
0xb9: {  	s31 =	sshll.u32 s1, $0xD;
	s1 =	sshrl.u32 s1, $0x2  }
0xba: {  	s3 =	sand.u32 $0x4000, s31;
	s1 =	sadd.s32 s1, s30  }
0xbb: {  	s0 =	sor.u32 s3, s0;
	s1 =	sshll.u32 s1, $0x11  }
0xbc: {  	s0 =	sor.u32 s1, s0  }
0xbd: {  	s0 =	sadd.s32 $0x8F2B, s0  }
0xbe: {  	[sflag:s0] =	ssyncadd.remote.s32 $0x1  }
0xbf: {  	_ =	sfence.sel $0xFFFF  }
0xc0: {  	[dreg:$0x0] =	wrdreg $0xFFFFFFFF;
	(pc) =	sbr.abs _section_cstart, $3  }
0xc1: {  	[dreg:$0x1] =	wrdreg $0xFFFFFFFF  }
0xc2: {  	_ =	task.clear_ibuf [dreg:s7], $0x2FFFF;
	_ =	strace $0x9FFFFFFF  }
0xc3: {  	(tm) =	ssettm $0x7FFFFFFF  }
tec
execute0_lowered:
.L_overlay_start_1:
0x0: {  	(tag) =	ssettag $0x1  }
0x1: {  	s0 =	rddreg [dreg:$0x0]  }
0x2: {  	s1 =	rddreg [dreg:$0x1]  }
0x3: {  	s2 =	rddreg [dreg:$0x2];
	s16 =	stileid.u32  }
0x4: {  	s4 =	simm.s32 $0x0;
	s3 =	srdreg.scid;
	s9 =	smul.u32 $0x14000, s16  }
0x5: {  	[smem:$0x7FF] =	sst s4;
	s11 =	smul.u32 $0x50000, s16  }
0x6: {  	s3 =	sand.u32 $0x1, s3;
	s6 =	sshll.u32 s16, $0x1;
	s13 =	smul.u32 $0x2800, s16  }
0x7: {  	s5 =	sadd.s32 $0xBC00, s0;
	s7 =	sadd.s32 $0x33C00, s0;
	s16 =	smul.u32 $0x4E20, s16  }
0x8: {  	_ =	strace $0x8000004A;
	s8 =	smul.u32 $0x140000, s3;
	s10 =	sor.u32 s3, s6  }
0x9: {  	s6 =	sadd.s32 $0x1E00, s0;
	s19 =	ssub.s32 $0x2, s3;
	p0 =	seq.s32 s3, $0x0  }
0xa: {  	s10 =	smul.u32 $0x2710, s10;
	s12 =	sshrl.u32 s19, $0x1;
	s20 =	sshrl.u32 s11, $0x2  }
0xb: {  	s21 =	sadd.s32 s5, s13;
	s8 =	sadd.s32 s9, s8;
	s9 =	ssub.s32 s19, s12  }
0xc: {  	[dreg:$0x4] =	wrdreg s21;
	s19 =	smul.u32 $0x2710, s3;
	s8 =	sshrl.u32 s8, $0x3  }
0xd: {  	s22 =	sshrl.u32 s10, $0x3;
	s13 =	smax.u32 s9, $0x1;
	s0 =	sadd.s32 s8, s0  }
0xe: {  	s8 =	sadd.s32 s20, s2;
	s10 =	sadd.s32 s1, s22;
	s11 =	sadd.s32 s6, s22  }
0xf: {  	s16 =	sadd.s32 s19, s16;
	s12 =	sadd.s32 $0x33E00, s0;
	s23 =	sadd.s32 $0x1000, s8  }
0x10: {  	s25 =	sadd.s32 $0x2000, s8;
	s14 =	sadd.s32 $0x3000, s8;
	s15 =	sadd.s32 $0x4000, s8  }
0x11: {  	s17 =	sadd.s32 $0x5000, s8;
	s18 =	sadd.s32 $0x6000, s8;
	s0 =	sshrl.u32 s23, $0x3  }
0x12: {  	s20 =	sadd.s32 $0x7000, s8;
	s29 =	sshrl.u32 s25, $0x3;
	[dreg:$0x5] =	wrdreg s0  }
0x13: {  	s21 =	sadd.s32 $0x8000, s8;
	s30 =	sshrl.u32 s14, $0x3;
	[dreg:$0x6] =	wrdreg s29  }
0x14: {  	s22 =	sadd.s32 $0x9000, s8;
	s31 =	sshrl.u32 s15, $0x3;
	[dreg:$0x7] =	wrdreg s30  }
0x15: {  	s26 =	sadd.s32 $0xA000, s8;
	s9 =	sshrl.u32 s17, $0x3;
	[dreg:$0x8] =	wrdreg s31  }
0x16: {  	s28 =	sadd.s32 $0xB000, s8;
	s14 =	sshrl.u32 s18, $0x3;
	[dreg:$0x9] =	wrdreg s9  }
0x17: {  	s24 =	sadd.s32 $0x50, s16;
	s15 =	sshrl.u32 s20, $0x3;
	[dreg:$0xa] =	wrdreg s14  }
0x18: {  	s16 =	sshrl.u32 s21, $0x3;
	s17 =	sshrl.u32 s22, $0x3;
	[dreg:$0xb] =	wrdreg s15  }
0x19: {  	s18 =	sshrl.u32 s26, $0x3;
	s19 =	sshrl.u32 s28, $0x3;
	[dreg:$0xc] =	wrdreg s16  }
0x1a: {  	s20 =	sadd.s32 $0xC000, s8;
	s21 =	sadd.s32 $0xD000, s8;
	[dreg:$0xd] =	wrdreg s17  }
0x1b: {  	s23 =	sadd.s32 $0xE000, s8;
	s25 =	sadd.s32 $0xF000, s8;
	[dreg:$0xe] =	wrdreg s18  }
0x1c: {  	s26 =	sadd.s32 $0x10000, s8;
	[dreg:$0xf] =	wrdreg s19;
	s0 =	sshrl.u32 s20, $0x3  }
0x1d: {  	s22 =	sshrl.u32 s21, $0x3;
	s28 =	sshrl.u32 s26, $0x3;
	s29 =	sadd.s32 $0x11000, s8  }
0x1e: {  	s30 =	sadd.s32 $0x12000, s8;
	s31 =	sadd.s32 $0x13000, s8;
	s15 =	simm.s32 $0x3  }
0x1f: {  	s17 =	simm.s32 $0x50;
	s18 =	simm.s32 $0x400;
	[dreg:$0x10] =	wrdreg s0  }
0x20: {  	s19 =	simm.s32 $0x1;
	s20 =	simm.s32 $0x2;
	[dreg:$0x11] =	wrdreg s22  }
0x21: {  	s21 =	simm.s32 $0x0;
	s0 =	sshrl.u32 s23, $0x3;
	[dreg:$0x14] =	wrdreg s28  }
0x22: {  	s9 =	sshrl.u32 s30, $0x3;
	[dreg:$0x12] =	wrdreg s0;
	s0 =	sshrl.u32 s25, $0x3  }
0x23: {  	s3 =	sshrl.u32 s31, $0x3;
	[dreg:$0x13] =	wrdreg s0;
	s0 =	sshrl.u32 s29, $0x3  }
.LBB2_1:
.Ltmp0:
0x24: {  	(pc) =	sbr.rel @!p0 .LBB2_2-.Ltmp0, $4  }
0x25: {  	_ = 	snop  }
0x26: {  	s14 =	stileid.u32  }
0x27: {  	s14 =	sshll.u32 s14, $0x6  }
0x28: {  	s22 =	sshrl.u32 s8, $0x3;
	s23 =	sor.u32 $0x1C03, s14  }
.Ltmp1:
0x29: {  	s14 =	rddreg [dreg:$0x4];
	(pc) =	sbr.rel .LBB2_4-.Ltmp1, $4  }
0x2a: {  	[spmem:s22], [sflag:s23] =	dma.local [hbm:s14], $0x2800  }
0x2b: {  	_ =	swait.ge [sflag:s15], $0x2800  }
0x2c: {  	[sflag:s15] =	ssyncset.done $0x0  }
0x2d: {  	[sflag:s15] =	ssyncadd.s32 $0xFFFFD800  }
.LBB2_2:
0x2e: {  	[spmem:s22], [sflag:s23] =	dma.local [hbm:s7], $0x200  }
0x2f: {  	_ =	swait.ge [sflag:s15], $0x200  }
0x30: {  	[sflag:s15] =	ssyncset.done $0x0  }
0x31: {  	s14 =	rddreg [dreg:$0x5];
	[sflag:s15] =	ssyncadd.s32 $0xFFFFFE00  }
0x32: {  	[spmem:s14], [sflag:s23] =	dma.local [hbm:s7], $0x200  }
0x33: {  	_ =	swait.ge [sflag:s15], $0x200  }
0x34: {  	[sflag:s15] =	ssyncset.done $0x0  }
0x35: {  	s31 =	rddreg [dreg:$0x6];
	[sflag:s15] =	ssyncadd.s32 $0xFFFFFE00  }
0x36: {  	[spmem:s31], [sflag:s23] =	dma.local [hbm:s7], $0x200  }
0x37: {  	_ =	swait.ge [sflag:s15], $0x200  }
0x38: {  	[sflag:s15] =	ssyncset.done $0x0  }
0x39: {  	s16 =	rddreg [dreg:$0x7];
	[sflag:s15] =	ssyncadd.s32 $0xFFFFFE00  }
0x3a: {  	[spmem:s16], [sflag:s23] =	dma.local [hbm:s7], $0x200  }
0x3b: {  	_ =	swait.ge [sflag:s15], $0x200  }
0x3c: {  	[sflag:s15] =	ssyncset.done $0x0  }
0x3d: {  	s25 =	rddreg [dreg:$0x8];
	[sflag:s15] =	ssyncadd.s32 $0xFFFFFE00  }
0x3e: {  	[spmem:s25], [sflag:s23] =	dma.local [hbm:s7], $0x200  }
0x3f: {  	_ =	swait.ge [sflag:s15], $0x200  }
0x40: {  	[sflag:s15] =	ssyncset.done $0x0  }
0x41: {  	s26 =	rddreg [dreg:$0x9];
	[sflag:s15] =	ssyncadd.s32 $0xFFFFFE00  }
0x42: {  	[spmem:s26], [sflag:s23] =	dma.local [hbm:s7], $0x200  }
0x43: {  	_ =	swait.ge [sflag:s15], $0x200  }
0x44: {  	[sflag:s15] =	ssyncset.done $0x0  }
0x45: {  	s28 =	rddreg [dreg:$0xa];
	[sflag:s15] =	ssyncadd.s32 $0xFFFFFE00  }
0x46: {  	[spmem:s28], [sflag:s23] =	dma.local [hbm:s7], $0x200  }
0x47: {  	_ =	swait.ge [sflag:s15], $0x200  }
0x48: {  	[sflag:s15] =	ssyncset.done $0x0  }
0x49: {  	s29 =	rddreg [dreg:$0xb];
	[sflag:s15] =	ssyncadd.s32 $0xFFFFFE00  }
0x4a: {  	[spmem:s29], [sflag:s23] =	dma.local [hbm:s7], $0x200  }
0x4b: {  	_ =	swait.ge [sflag:s15], $0x200  }
0x4c: {  	[sflag:s15] =	ssyncset.done $0x0  }
0x4d: {  	s30 =	rddreg [dreg:$0xc];
	[sflag:s15] =	ssyncadd.s32 $0xFFFFFE00  }
0x4e: {  	[spmem:s30], [sflag:s23] =	dma.local [hbm:s7], $0x200  }
0x4f: {  	_ =	swait.ge [sflag:s15], $0x200  }
0x50: {  	[sflag:s15] =	ssyncset.done $0x0  }
0x51: {  	s31 =	rddreg [dreg:$0xd];
	[sflag:s15] =	ssyncadd.s32 $0xFFFFFE00  }
0x52: {  	[spmem:s31], [sflag:s23] =	dma.local [hbm:s7], $0x200  }
0x53: {  	_ =	swait.ge [sflag:s15], $0x200  }
0x54: {  	[sflag:s15] =	ssyncset.done $0x0  }
0x55: {  	s16 =	rddreg [dreg:$0xe];
	[sflag:s15] =	ssyncadd.s32 $0xFFFFFE00  }
0x56: {  	[spmem:s16], [sflag:s23] =	dma.local [hbm:s7], $0x200  }
0x57: {  	_ =	swait.ge [sflag:s15], $0x200  }
0x58: {  	[sflag:s15] =	ssyncset.done $0x0  }
0x59: {  	s25 =	rddreg [dreg:$0xf];
	[sflag:s15] =	ssyncadd.s32 $0xFFFFFE00  }
0x5a: {  	[spmem:s25], [sflag:s23] =	dma.local [hbm:s7], $0x200  }
0x5b: {  	_ =	swait.ge [sflag:s15], $0x200  }
0x5c: {  	[sflag:s15] =	ssyncset.done $0x0  }
0x5d: {  	s26 =	rddreg [dreg:$0x10];
	[sflag:s15] =	ssyncadd.s32 $0xFFFFFE00  }
0x5e: {  	[spmem:s26], [sflag:s23] =	dma.local [hbm:s7], $0x200  }
0x5f: {  	_ =	swait.ge [sflag:s15], $0x200  }
0x60: {  	[sflag:s15] =	ssyncset.done $0x0  }
0x61: {  	s28 =	rddreg [dreg:$0x11];
	[sflag:s15] =	ssyncadd.s32 $0xFFFFFE00  }
0x62: {  	[spmem:s28], [sflag:s23] =	dma.local [hbm:s7], $0x200  }
0x63: {  	_ =	swait.ge [sflag:s15], $0x200  }
0x64: {  	[sflag:s15] =	ssyncset.done $0x0  }
0x65: {  	s29 =	rddreg [dreg:$0x12];
	[sflag:s15] =	ssyncadd.s32 $0xFFFFFE00  }
0x66: {  	[spmem:s29], [sflag:s23] =	dma.local [hbm:s7], $0x200  }
0x67: {  	_ =	swait.ge [sflag:s15], $0x200  }
0x68: {  	[sflag:s15] =	ssyncset.done $0x0  }
0x69: {  	s30 =	rddreg [dreg:$0x13];
	[sflag:s15] =	ssyncadd.s32 $0xFFFFFE00  }
0x6a: {  	[spmem:s30], [sflag:s23] =	dma.local [hbm:s7], $0x200  }
0x6b: {  	_ =	swait.ge [sflag:s15], $0x200  }
0x6c: {  	[sflag:s15] =	ssyncset.done $0x0  }
0x6d: {  	s31 =	rddreg [dreg:$0x14];
	[sflag:s15] =	ssyncadd.s32 $0xFFFFFE00  }
0x6e: {  	[spmem:s31], [sflag:s23] =	dma.local [hbm:s7], $0x200  }
0x6f: {  	_ =	swait.ge [sflag:s15], $0x200  }
0x70: {  	[sflag:s15] =	ssyncset.done $0x0  }
0x71: {  	[sflag:s15] =	ssyncadd.s32 $0xFFFFFE00  }
0x72: {  	[spmem:s0], [sflag:s23] =	dma.local [hbm:s7], $0x200  }
0x73: {  	_ =	swait.ge [sflag:s15], $0x200  }
0x74: {  	[sflag:s15] =	ssyncset.done $0x0  }
0x75: {  	[sflag:s15] =	ssyncadd.s32 $0xFFFFFE00  }
0x76: {  	[spmem:s9], [sflag:s23] =	dma.local [hbm:s7], $0x200  }
0x77: {  	_ =	swait.ge [sflag:s15], $0x200  }
0x78: {  	[sflag:s15] =	ssyncset.done $0x0  }
0x79: {  	[sflag:s15] =	ssyncadd.s32 $0xFFFFFE00  }
0x7a: {  	[spmem:s3], [sflag:s23] =	dma.local [hbm:s7], $0x200  }
0x7b: {  	_ =	swait.ge [sflag:s15], $0x200  }
0x7c: {  	[sflag:s15] =	ssyncset.done $0x0  }
0x7d: {  	[sflag:s15] =	ssyncadd.s32 $0xFFFFFE00  }
.LBB2_4:
0x7e: {  	[bflag:$0x0] =	sbarrier.arrive $0xFFFF;
	s25 =	simm.s32 $0x0  }
0x7f: {  	[tilespmem:s25], [sflag:$0x3] =	stream.linear.gather [hbm4b:s10+s25], $0x50, $0x38;
	[tilespmem:$0x1BC00] =	vst v63  }
0x80: {  	_ =	swait.ge [sflag:s15], $0x50  }
0x81: {  	[sflag:s15] =	ssyncset.done $0x0  }
0x82: {  	s14 =	simm.s32 $0x200;
	[sflag:s15] =	ssyncadd.s32 $0xFFFFFFB0  }
0x83: {  	[tilespmem:s14], [sflag:$0x3] =	stream.linear.gather [hbm4b:s11+s25], $0x50, $0x38;
	[tilespmem:$0x1BC00] =	vst v63  }
0x84: {  	_ =	swait.ge [sflag:s15], $0x50  }
0x85: {  	[sflag:s15] =	ssyncset.done $0x0  }
0x86: {  	s14 =	smov.u32 s24;
	[sflag:s15] =	ssyncadd.s32 $0xFFFFFFB0  }
0x87: {  	[tilespmem:s18], [sflag:$0x1] =	stream.indirect.gather [hbm4b:s5+s17], $0x80, s25, s17, $0xb8;
	[tilespmem:$0x1BC00] =	vst v63  }
.LBB2_5:
0x88: {  	p1 =	slt.u32 s25, $0x2  }
0x89: {  	s29 =	simm.s32 @!p1 $0x2  }
0x8a: {  	s28 =	smul.u32 $0xAB, s25;
	p2 =	seq.s32 @!p1 s25, $0x7C;
	_ =	swait.ge @!p1 [sflag:s29], $0x2800  }
0x8b: {  	p2 =	por p1, !p2;
	[sflag:s29] =	ssyncset.done @!p1 $0x0  }
0x8c: {  	[sflag:s29] =	ssyncadd.s32 @!p1 $0xFFFFD800;
	s29 =	sadd.s32 @p2 $0xAB, s28  }
0x8d: {  	s29 =	sshrl.u32 @p2 s29, $0x9  }
0x8e: {  	s29 =	sand.u32 @p2 $0x7F, s29  }
0x8f: {  	s29 =	smul.u32 @p2 $0x3, s29  }
0x90: {  	s26 =	sadd.s32 $0x1, s25  }
0x91: {  	s29 =	ssub.s32 @p2 s26, s29  }
0x92: {  	s30 =	sshrl.u32 @p2 s14, $0x3;
	s29 =	sand.u32 @p2 $0xFF, s29  }
0x93: {  	s16 =	sadd.s32 @p2 s1, s30;
	s31 =	sshll.u32 @p2 s29, $0x7  }
0x94: {  	[tilespmem:s31], [sflag:$0x3] =	stream.linear.gather @p2 [hbm4b:s16+s4], $0x50, $0x38;
	[tilespmem:$0x1BC00] =	vst v63  }
0x95: {  	_ =	swait.ge @p2 [sflag:s15], $0x50  }
0x96: {  	[sflag:s15] =	ssyncset.done @p2 $0x0  }
0x97: {  	s30 =	sadd.s32 @p2 s6, s30;
	s16 =	sadd.s32 @p2 $0x200, s31;
	[sflag:s15] =	ssyncadd.s32 @p2 $0xFFFFFFB0  }
0x98: {  	[tilespmem:s16], [sflag:$0x3] =	stream.linear.gather @p2 [hbm4b:s30+s4], $0x50, $0x38;
	[tilespmem:$0x1BC00] =	vst v63  }
0x99: {  	s16 =	smul.u32 @p2 $0xA000, s29  }
0x9a: {  	_ =	swait.ge @p2 [sflag:s15], $0x50  }
0x9b: {  	[sflag:s15] =	ssyncset.done @p2 $0x0;
	s16 =	sshrl.u32 @p2 s16, $0x2  }
0x9c: {  	s30 =	sshrl.u32 s28, $0x9;
	[sflag:s15] =	ssyncadd.s32 @p2 $0xFFFFFFB0;
	s16 =	sor.u32 @p2 $0x400, s16  }
0x9d: {  	[tilespmem:s16], [sflag:$0x1] =	stream.indirect.gather @p2 [hbm4b:s5+s17], $0x80, s31, s17, $0xb8;
	[tilespmem:$0x1BC00] =	vst v63  }
0x9e: {  	s16 =	sand.u32 $0x7F, s30  }
0x9f: {  	s16 =	smul.u32 $0x3, s16;
	_ =	sdelay $0x1  }
0xa0: {  	s16 =	ssub.s32 s25, s16  }
0xa1: {  	s16 =	sand.u32 $0xFF, s16  }
0xa2: {  	p1 =	sne.s32 s26, $0x7D;
	s31 =	smul.u32 $0xA000, s16  }
.Ltmp2:
0xa3: {  	_ =	swait.ge [sflag:s19], $0x2800;
	(pc) =	sbr.rel @p1 .LBB2_5-.Ltmp2, $4  }
0xa4: {  	[sflag:s19] =	ssyncset.done $0x0;
	s16 =	sshll.u32 s16, $0x7;
	s25 =	sshrl.u32 s31, $0x2  }
0xa5: {  	[sflag:s19] =	ssyncadd.s32 $0xFFFFD800;
	s16 =	sadd.s32 $0x200, s16;
	s25 =	sor.u32 $0x400, s25  }
0xa6: {  	[spmem:s2] =	stream.indirect.scatter.add.f32 [tilespmem:s25], [sflag:$0x2], $0x80, s16, s17, $0xb8;
	[tilespmem:$0x1BC00] =	vst v63  }
0xa7: {  	s14 =	sadd.s32 $0x50, s14;
	s25 =	smov.u32 s26  }
0xa8: {  	_ =	swait.ge [sflag:s20], $0x2800  }
0xa9: {  	[sflag:s20] =	ssyncset.done $0x0  }
0xaa: {  	[sflag:s20] =	ssyncadd.s32 $0xFFFFD800  }
0xab: {  	_ =	swait.ge [sflag:s20], $0x2800  }
0xac: {  	s21 =	sadd.s32 $0x1, s21;
	[sflag:s20] =	ssyncset.done $0x0  }
0xad: {  	p1 =	sne.s32 s21, s13;
	[sflag:s20] =	ssyncadd.s32 $0xFFFFD800  }
.Ltmp3:
0xae: {  	[bflag:$0x0] =	sbarrier.arrive $0xFFFF;
	(pc) =	sbr.rel @p1 .LBB2_1-.Ltmp3, $4  }
0xaf: {  	[hbm:s12], [sflag:s23] =	dma.local [spmem:s22], $0x2800  }
0xb0: {  	_ =	swait.ge [sflag:s15], $0x2800  }
0xb1: {  	[sflag:s15] =	ssyncset.done $0x0  }
0xb2: {  	[sflag:s15] =	ssyncadd.s32 $0xFFFFD800  }
0xb3: {  	_ =	sfence.sel $0x180000  }
0xb4: {  	[bflag:$0x0] =	sbarrier.arrive $0xFFFF  }
0xb5: {  	_ =	strace $0x9000004A  }
0xb6: {  	s0 =	stileid.u32;
	[bflag:$0x2] =	sbarrier.arrive $0xFFFF  }
0xb7: {  	p0 =	sne.s32 s0, $0x0;
	s0 =	rddreg [dreg:$0x3]  }
0xb8: {  	s0 =	sadd.s32 @!p0 $0x100000, s0  }
0xb9: {  	[sflag:s0] =	ssyncadd.tile.s32 @!p0 $0x1;
	_ =	shalt  }
.Lfunc_end2:
_tile_overlayer_lowered:
.L_overlay_start_2:
0xba: {  	(tag) =	ssettag $0x2  }
0xbb: {  	s0 =	rddreg [dreg:$0x0];
	s2 =	stileid.u32  }
0xbc: {  	s1 =	rddreg [dreg:$0x1];
	p0 =	sne.s32 s2, $0x0  }
0xbd: {  	s3 =	rddreg [dreg:$0x2];
	[bflag:$0x3] =	sbarrier.arrive $0xFFFF;
	s2 =	simm.s32 @!p0 $0x1C03  }
0xbe: {  	[timem:s3], [sflag:s2] =	dma.local @!p0 [hbm:s0], s1  }
0xbf: {  	s0 =	simm.s32 @!p0 $0x3  }
0xc0: {  	_ =	swait.ge @!p0 [sflag:s0], s1  }
0xc1: {  	s1 =	ssub.s32 @!p0 $0x0, s1;
	[sflag:s0] =	ssyncset.done @!p0 $0x0  }
0xc2: {  	[sflag:s0] =	ssyncadd.s32 @!p0 s1  }
0xc3: {  	[bflag:$0x3] =	sbarrier.arrive $0xFFFF  }
0xc4: {  	_ =	shalt  }

// kernel: kernel.15.cloned.1.call-start
scs
__scs_entry_jumppad:
0x0: {  	(pc) =	sbr.rel $0x88, $3  }
0x1: {  	(tag) =	ssettag $0x0;
	lr =	simm.s32 $0x1  }
0x2: {  	[smem:$0x3F9B] =	sst lr;
	_ =	strace $0xD0000000  }
0x3: {  	_ = 	snop  }
0x4: {  	_ = 	snop  }
0x5: {  	_ = 	snop  }
0x6: {  	_ = 	snop  }
0x7: {  	_ = 	snop  }
__scs_overlays_trampoline_lowered:
0x8: {  	[smem:$0x3FAA] =	sst s0  }
0x9: {  	[smem:$0x3FAB] =	sst s1  }
0xa: {  	[smem:$0x3FAC] =	sst s2  }
0xb: {  	[smem:$0x3FAD] =	sst s3  }
0xc: {  	[smem:$0x3FAE] =	sst s4  }
0xd: {  	[smem:$0x3FAF] =	sst s5  }
0xe: {  	[smem:$0x3FB0] =	sst s6  }
0xf: {  	[smem:$0x3FB1] =	sst s7  }
0x10: {  	[smem:$0x3FB2] =	sst s8  }
0x11: {  	[smem:$0x3FB3] =	sst s9;
	s0 =	simm.s32 @!p0 $0x0  }
0x12: {  	s1 =	sld [smem:$0x3F99];
	s0 =	simm.s32 @p0 $0x1  }
0x13: {  	[smem:$0x3FB4] =	sst s0;
	s0 =	simm.s32 @!p1 $0x0  }
0x14: {  	s2 =	sld [smem:$0x3F98];
	s0 =	simm.s32 @p1 $0x1  }
0x15: {  	[smem:$0x3FB5] =	sst s0;
	s0 =	simm.s32 @!p2 $0x0  }
0x16: {  	s3 =	sld [smem:$0x3FDB];
	s0 =	simm.s32 @p2 $0x1  }
0x17: {  	s4 =	simm.s32 $0x1BF5;
	[smem:$0x3FB7] =	sst s0  }
0x18: {  	s0 =	sld [smem:$0x3F9A];
	_ =	swait.ge [sflag:s4], $0x0  }
0x19: {  	s7 =	sld [smem:$0x3F9B]  }
0x1a: {  	s8 =	sadd.s32 $0xFFFFE003, lr  }
0x1b: {  	s9 =	sadd.s32 $0xFFFFFEF7, lr;
	s5 =	simm.s32 $0xFFFFFFFF;
	p2 =	slt.u32 s8, $0xFFFFF086  }
0x1c: {  	p1 =	slt.u32 s9, $0xF7A;
	s5 =	simm.s32 @!p2 $0x0  }
0x1d: {  	s5 =	simm.s32 @p1 $0x1;
	p0 =	seq.s32 s7, s2  }
0x1e: {  	s7 =	smul.u32 @!p0 $0xF7A, s2;
	p2 =	seq.s32 @!p0 s5, $0x0  }
0x1f: {  	s9 =	smul.u32 $0xF7A, s1;
	s8 =	simm.s32 @!p0 $0x1BF5;
	p2 =	por !p2, p0  }
0x20: {  	[sflag:s8] =	ssyncset.s32 @!p0 $0xFFFFF086;
	s6 =	sadd.s32 @!p0 s3, s7;
	s7 =	simm.s32 @!p0 $0x108  }
0x21: {  	s3 =	sadd.s32 s3, s9;
	s6 =	sadd.s32 @!p0 $0x88, s6;
	s7 =	simm.s32 @p2 $0x1082  }
0x22: {  	[simem:s7], [sflag:s8] =	dma.local @!p0 [hbm:s6], $0xF7A  }
0x23: {  	s9 =	sor.u32 $0xD0000000, s2;
	s6 =	simm.s32 $0x108;
	_ =	swait.ge @!p0 [sflag:s8], $0x0  }
0x24: {  	s3 =	sadd.s32 $0x88, s3;
	s6 =	simm.s32 @!p1 $0x1082;
	[sflag:s4] =	ssyncset.s32 $0xFFFFF086  }
0x25: {  	[simem:s6], [sflag:s4] =	dma.local [hbm:s3], $0xF7A  }
0x26: {  	[smem:$0x3F9B] =	sst s1;
	(tag) =	ssettag s2;
	_ =	strace s9  }
0x27: {  	s1 =	sld [smem:$0x3FAB]  }
0x28: {  	s2 =	sld [smem:$0x3FAC]  }
0x29: {  	s4 =	sld [smem:$0x3FAE]  }
0x2a: {  	p0 =	seq.s32 s5, $0x0;
	s5 =	sld [smem:$0x3FAF]  }
0x2b: {  	s6 =	sld [smem:$0x3FB0]  }
0x2c: {  	s7 =	sld [smem:$0x3FB1]  }
0x2d: {  	s3 =	simm.s32 $0x108;
	s8 =	sld [smem:$0x3FB2]  }
0x2e: {  	s3 =	simm.s32 @!p0 $0x1082;
	s9 =	sld [smem:$0x3FB3]  }
0x2f: {  	lr =	sadd.s32 s0, s3;
	s0 =	sld [smem:$0x3FAA]  }
0x30: {  	s3 =	sld [smem:$0x3FAD]  }
0x31: {  	[smem:$0x3FB6] =	sst s10  }
0x32: {  	s10 =	sld [smem:$0x3FB4];
	_ =	sdelay $0x3  }
0x33: {  	p0 =	seq.s32 s10, $0x1;
	s10 =	sld [smem:$0x3FB6];
	_ =	sdelay $0x3  }
0x34: {  	[smem:$0x3FB6] =	sst s10  }
0x35: {  	s10 =	sld [smem:$0x3FB5];
	_ =	sdelay $0x3  }
0x36: {  	p1 =	seq.s32 s10, $0x1;
	s10 =	sld [smem:$0x3FB6];
	_ =	sdelay $0x3  }
0x37: {  	[smem:$0x3FB6] =	sst s10  }
0x38: {  	s10 =	sld [smem:$0x3FB7]  }
0x39: {  	_ = 	snop;
	(pc) =	sbr.ind lr, $3  }
0x3a: {  	_ = 	snop  }
0x3b: {  	_ = 	snop  }
0x3c: {  	p2 =	seq.s32 s10, $0x1;
	s10 =	sld [smem:$0x3FB6]  }
0x3d: {  	_ =	shalt  }
0x3e: {  	_ =	shalt  }
0x3f: {  	_ =	shalt  }
0x40: {  	_ =	shalt  }
0x41: {  	_ =	shalt  }
0x42: {  	_ =	shalt  }
0x43: {  	_ =	shalt  }
0x44: {  	_ =	shalt  }
0x45: {  	_ =	shalt  }
0x46: {  	_ =	shalt  }
0x47: {  	_ =	shalt  }
0x48: {  	_ =	shalt  }
0x49: {  	_ =	shalt  }
0x4a: {  	_ =	shalt  }
0x4b: {  	_ =	shalt  }
0x4c: {  	_ =	shalt  }
0x4d: {  	_ =	shalt  }
0x4e: {  	_ =	shalt  }
0x4f: {  	_ =	shalt  }
0x50: {  	_ =	shalt  }
0x51: {  	_ =	shalt  }
0x52: {  	_ =	shalt  }
0x53: {  	_ =	shalt  }
0x54: {  	_ =	shalt  }
0x55: {  	_ =	shalt  }
0x56: {  	_ =	shalt  }
0x57: {  	_ =	shalt  }
0x58: {  	_ =	shalt  }
0x59: {  	_ =	shalt  }
0x5a: {  	_ =	shalt  }
0x5b: {  	_ =	shalt  }
0x5c: {  	_ =	shalt  }
0x5d: {  	_ =	shalt  }
0x5e: {  	_ =	shalt  }
0x5f: {  	_ =	shalt  }
0x60: {  	_ =	shalt  }
0x61: {  	_ =	shalt  }
0x62: {  	_ =	shalt  }
0x63: {  	_ =	shalt  }
0x64: {  	_ =	shalt  }
0x65: {  	_ =	shalt  }
0x66: {  	_ =	shalt  }
0x67: {  	_ =	shalt  }
0x68: {  	_ =	shalt  }
0x69: {  	_ =	shalt  }
0x6a: {  	_ =	shalt  }
0x6b: {  	_ =	shalt  }
0x6c: {  	_ =	shalt  }
0x6d: {  	_ =	shalt  }
0x6e: {  	_ =	shalt  }
0x6f: {  	_ =	shalt  }
0x70: {  	_ =	shalt  }
0x71: {  	_ =	shalt  }
0x72: {  	_ =	shalt  }
0x73: {  	_ =	shalt  }
0x74: {  	_ =	shalt  }
0x75: {  	_ =	shalt  }
0x76: {  	_ =	shalt  }
0x77: {  	_ =	shalt  }
0x78: {  	_ =	shalt  }
0x79: {  	_ =	shalt  }
0x7a: {  	_ =	shalt  }
0x7b: {  	_ =	shalt  }
0x7c: {  	_ =	shalt  }
0x7d: {  	_ =	shalt  }
0x7e: {  	_ =	shalt  }
0x7f: {  	_ =	shalt  }
0x80: {  	_ =	shalt  }
0x81: {  	_ =	shalt  }
0x82: {  	_ =	shalt  }
0x83: {  	_ =	shalt  }
0x84: {  	_ =	shalt  }
0x85: {  	_ =	shalt  }
0x86: {  	_ =	shalt  }
0x87: {  	_ =	shalt  }
.Lfunc_end0:
.L_simem_size_0:
called_computation.2_lowered:
.L_overlay_start_0:
0x88: {  	s2 =	sld [smem:$0x3FD9]  }
0x89: {  	s3 =	sld [smem:$0x3FFE];
	_ =	sdelay $0x1  }
0x8a: {  	s1 =	srdreg.scid  }
0x8b: {  	s0 =	sand.u32 $0x1, s1  }
0x8c: {  	s17 =	sshll.u32 s0, $0xA;
	s2 =	sadd.s32 s3, s2  }
0x8d: {  	s2 =	sadd.s32 s2, s17  }
0x8e: {  	[smem:$0x3FC2] =	sst s2  }
0x8f: {  	_ = 	snop  }
0x90: {  	s2 =	sld [smem:$0x3FD0];
	(tm) =	ssettm $0x1  }
0x91: {  	s18 =	sld [smem:$0x3FFB];
	_ =	sdelay $0x3  }
0x92: {  	_ =	strace s18  }
0x93: {  	s3 =	sld [smem:$0x3FFC];
	_ =	sdelay $0x3  }
0x94: {  	_ =	strace s3  }
0x95: {  	s3 =	sld [smem:$0x3FFD];
	_ =	sdelay $0x3  }
0x96: {  	_ =	strace s3  }
0x97: {  	_ =	strace $0x8FFFFFFF  }
0x98: {  	s19 =	sld [smem:$0x3FDB];
	_ =	sdelay $0x1  }
0x99: {  	s4 =	simm.s32 $_scs_section_size  }
0x9a: {  	s5 =	simm.s32 $_size__tile_overlayer_lowered;
	s6 =	simm.s32 $_tile_overlayer_lowered  }
0x9b: {  	s22 =	simm.s32 $0x1BFF;
	s21 =	sshll.u32 s6, $0x1;
	s3 =	sadd.s32 s4, s19  }
0x9c: {  	s7 =	simm.s32 $0x0;
	s20 =	sshll.u32 s5, $0x1;
	s5 =	sadd.s32 s21, s3  }
0x9d: {  	[timem:s7], [sflag:s22] =	dma.local [hbm:s5], s20  }
0x9e: {  	_ =	swait.ge [sflag:s22], s20  }
0x9f: {  	s4 =	ssub.s32 $0x0, s20;
	[sflag:s22] =	ssyncset.done $0x0  }
0xa0: {  	[sflag:s22] =	ssyncadd.s32 s4;
	_ =	sdelay $0x1  }
0xa1: {  	s23 =	simm.s32 $0x1B8B  }
0xa2: {  	_ =	swait.ge [sflag:s23], $0x1  }
0xa3: {  	[sflag:s23] =	ssyncset.done $0x0  }
0xa4: {  	s25 =	simm.s32 $0x1B8E;
	s24 =	sld [smem:$0x3FFE];
	[sflag:s23] =	ssyncadd.s32 $0xFFFFFFFF  }
0xa5: {  	s26 =	simm.s32 $execute0_lowered;
	[smem:$0x3FD2] =	sst s25  }
0xa6: {  	s5 =	sshll.u32 s26, $0x1;
	_ =	strace $0x8000004C;
	[dreg:$0x1] =	wrdreg $0xFFFFFFFF  }
0xa7: {  	s28 =	simm.s32 $_size_execute0_lowered;
	s3 =	sadd.s32 s3, s5;
	[dreg:$0x0] =	wrdreg $0x0  }
0xa8: {  	s5 =	sshll.u32 s28, $0x1;
	[dreg:$0x2] =	wrdreg s3  }
0xa9: {  	[dreg:$0x3] =	wrdreg s5  }
0xaa: {  	[dreg:$0x4] =	wrdreg $0xC0  }
0xab: {  	_ =	task [dreg:s7], $0x5FFFF  }
0xac: {  	[dreg:$0x1] =	wrdreg $0xFFFFFFFF  }
0xad: {  	[dreg:$0x0] =	wrdreg $0x60  }
0xae: {  	[dreg:$0x2] =	wrdreg s24  }
0xaf: {  	[dreg:$0x3] =	wrdreg s2  }
0xb0: {  	[dreg:$0x4] =	wrdreg $0x7C000  }
0xb1: {  	[dreg:$0x5] =	wrdreg $0x9  }
0xb2: {  	_ =	task.clear_ibuf [dreg:s7], $0x6FFFF;
	_ =	strace $0x9000004C  }
0xb3: {  	s29 =	simm.s32 $0x9;
	_ =	strace $0x8000004E  }
0xb4: {  	_ =	swait.ge [sflag:s29], $0x1  }
0xb5: {  	[sflag:s29] =	ssyncadd.s32 $0xFFFFFFFF  }
0xb6: {  	_ =	strace $0x9000004E  }
0xb7: {  	_ =	sfence  }
0xb8: {  	s30 =	sld [smem:$0x0];
	_ =	sdelay $0x2  }
0xb9: {  	s31 =	sshll.u32 s1, $0xD;
	s1 =	sshrl.u32 s1, $0x2  }
0xba: {  	s3 =	sand.u32 $0x4000, s31;
	s1 =	sadd.s32 s1, s30  }
0xbb: {  	s0 =	sor.u32 s3, s0;
	s1 =	sshll.u32 s1, $0x11  }
0xbc: {  	s0 =	sor.u32 s1, s0  }
0xbd: {  	s0 =	sadd.s32 $0x8F2B, s0  }
0xbe: {  	[sflag:s0] =	ssyncadd.remote.s32 $0x1  }
0xbf: {  	_ =	sfence.sel $0xFFFF  }
0xc0: {  	[dreg:$0x0] =	wrdreg $0xFFFFFFFF;
	(pc) =	sbr.abs _section_cstart, $3  }
0xc1: {  	[dreg:$0x1] =	wrdreg $0xFFFFFFFF  }
0xc2: {  	_ =	task.clear_ibuf [dreg:s7], $0x2FFFF;
	_ =	strace $0x9FFFFFFF  }
0xc3: {  	(tm) =	ssettm $0x7FFFFFFF  }
tec
execute0_lowered:
.L_overlay_start_1:
0x0: {  	(tag) =	ssettag $0x1  }
0x1: {  	s0 =	rddreg [dreg:$0x0]  }
0x2: {  	s1 =	rddreg [dreg:$0x1]  }
0x3: {  	s2 =	rddreg [dreg:$0x2];
	s16 =	stileid.u32  }
0x4: {  	s4 =	simm.s32 $0x0;
	s3 =	srdreg.scid;
	s9 =	smul.u32 $0x14000, s16  }
0x5: {  	[smem:$0x7FF] =	sst s4;
	s11 =	smul.u32 $0x50000, s16  }
0x6: {  	s3 =	sand.u32 $0x1, s3;
	s6 =	sshll.u32 s16, $0x1;
	s13 =	smul.u32 $0x2800, s16  }
0x7: {  	s5 =	sadd.s32 $0xBC00, s0;
	s7 =	sadd.s32 $0x33C00, s0;
	s16 =	smul.u32 $0x4E20, s16  }
0x8: {  	_ =	strace $0x8000004D;
	s8 =	smul.u32 $0x140000, s3;
	s10 =	sor.u32 s3, s6  }
0x9: {  	s6 =	sadd.s32 $0x1E00, s0;
	s19 =	ssub.s32 $0x2, s3;
	p0 =	seq.s32 s3, $0x0  }
0xa: {  	s10 =	smul.u32 $0x2710, s10;
	s12 =	sshrl.u32 s19, $0x1;
	s20 =	sshrl.u32 s11, $0x2  }
0xb: {  	s21 =	sadd.s32 s5, s13;
	s8 =	sadd.s32 s9, s8;
	s9 =	ssub.s32 s19, s12  }
0xc: {  	[dreg:$0x4] =	wrdreg s21;
	s19 =	smul.u32 $0x2710, s3;
	s8 =	sshrl.u32 s8, $0x3  }
0xd: {  	s22 =	sshrl.u32 s10, $0x3;
	s13 =	smax.u32 s9, $0x1;
	s0 =	sadd.s32 s8, s0  }
0xe: {  	s8 =	sadd.s32 s20, s2;
	s10 =	sadd.s32 s1, s22;
	s11 =	sadd.s32 s6, s22  }
0xf: {  	s16 =	sadd.s32 s19, s16;
	s12 =	sadd.s32 $0x33E00, s0;
	s23 =	sadd.s32 $0x1000, s8  }
0x10: {  	s25 =	sadd.s32 $0x2000, s8;
	s14 =	sadd.s32 $0x3000, s8;
	s15 =	sadd.s32 $0x4000, s8  }
0x11: {  	s17 =	sadd.s32 $0x5000, s8;
	s18 =	sadd.s32 $0x6000, s8;
	s0 =	sshrl.u32 s23, $0x3  }
0x12: {  	s20 =	sadd.s32 $0x7000, s8;
	s29 =	sshrl.u32 s25, $0x3;
	[dreg:$0x5] =	wrdreg s0  }
0x13: {  	s21 =	sadd.s32 $0x8000, s8;
	s30 =	sshrl.u32 s14, $0x3;
	[dreg:$0x6] =	wrdreg s29  }
0x14: {  	s22 =	sadd.s32 $0x9000, s8;
	s31 =	sshrl.u32 s15, $0x3;
	[dreg:$0x7] =	wrdreg s30  }
0x15: {  	s26 =	sadd.s32 $0xA000, s8;
	s9 =	sshrl.u32 s17, $0x3;
	[dreg:$0x8] =	wrdreg s31  }
0x16: {  	s28 =	sadd.s32 $0xB000, s8;
	s14 =	sshrl.u32 s18, $0x3;
	[dreg:$0x9] =	wrdreg s9  }
0x17: {  	s24 =	sadd.s32 $0x50, s16;
	s15 =	sshrl.u32 s20, $0x3;
	[dreg:$0xa] =	wrdreg s14  }
0x18: {  	s16 =	sshrl.u32 s21, $0x3;
	s17 =	sshrl.u32 s22, $0x3;
	[dreg:$0xb] =	wrdreg s15  }
0x19: {  	s18 =	sshrl.u32 s26, $0x3;
	s19 =	sshrl.u32 s28, $0x3;
	[dreg:$0xc] =	wrdreg s16  }
0x1a: {  	s20 =	sadd.s32 $0xC000, s8;
	s21 =	sadd.s32 $0xD000, s8;
	[dreg:$0xd] =	wrdreg s17  }
0x1b: {  	s23 =	sadd.s32 $0xE000, s8;
	s25 =	sadd.s32 $0xF000, s8;
	[dreg:$0xe] =	wrdreg s18  }
0x1c: {  	s26 =	sadd.s32 $0x10000, s8;
	[dreg:$0xf] =	wrdreg s19;
	s0 =	sshrl.u32 s20, $0x3  }
0x1d: {  	s22 =	sshrl.u32 s21, $0x3;
	s28 =	sshrl.u32 s26, $0x3;
	s29 =	sadd.s32 $0x11000, s8  }
0x1e: {  	s30 =	sadd.s32 $0x12000, s8;
	s31 =	sadd.s32 $0x13000, s8;
	s15 =	simm.s32 $0x3  }
0x1f: {  	s17 =	simm.s32 $0x50;
	s18 =	simm.s32 $0x400;
	[dreg:$0x10] =	wrdreg s0  }
0x20: {  	s19 =	simm.s32 $0x1;
	s20 =	simm.s32 $0x2;
	[dreg:$0x11] =	wrdreg s22  }
0x21: {  	s21 =	simm.s32 $0x0;
	s0 =	sshrl.u32 s23, $0x3;
	[dreg:$0x14] =	wrdreg s28  }
0x22: {  	s9 =	sshrl.u32 s30, $0x3;
	[dreg:$0x12] =	wrdreg s0;
	s0 =	sshrl.u32 s25, $0x3  }
0x23: {  	s3 =	sshrl.u32 s31, $0x3;
	[dreg:$0x13] =	wrdreg s0;
	s0 =	sshrl.u32 s29, $0x3  }
.LBB2_1:
.Ltmp0:
0x24: {  	(pc) =	sbr.rel @!p0 .LBB2_2-.Ltmp0, $4  }
0x25: {  	_ = 	snop  }
0x26: {  	s14 =	stileid.u32  }
0x27: {  	s14 =	sshll.u32 s14, $0x6  }
0x28: {  	s22 =	sshrl.u32 s8, $0x3;
	s23 =	sor.u32 $0x1C03, s14  }
.Ltmp1:
0x29: {  	s14 =	rddreg [dreg:$0x4];
	(pc) =	sbr.rel .LBB2_4-.Ltmp1, $4  }
0x2a: {  	[spmem:s22], [sflag:s23] =	dma.local [hbm:s14], $0x2800  }
0x2b: {  	_ =	swait.ge [sflag:s15], $0x2800  }
0x2c: {  	[sflag:s15] =	ssyncset.done $0x0  }
0x2d: {  	[sflag:s15] =	ssyncadd.s32 $0xFFFFD800  }
.LBB2_2:
0x2e: {  	[spmem:s22], [sflag:s23] =	dma.local [hbm:s7], $0x200  }
0x2f: {  	_ =	swait.ge [sflag:s15], $0x200  }
0x30: {  	[sflag:s15] =	ssyncset.done $0x0  }
0x31: {  	s14 =	rddreg [dreg:$0x5];
	[sflag:s15] =	ssyncadd.s32 $0xFFFFFE00  }
0x32: {  	[spmem:s14], [sflag:s23] =	dma.local [hbm:s7], $0x200  }
0x33: {  	_ =	swait.ge [sflag:s15], $0x200  }
0x34: {  	[sflag:s15] =	ssyncset.done $0x0  }
0x35: {  	s31 =	rddreg [dreg:$0x6];
	[sflag:s15] =	ssyncadd.s32 $0xFFFFFE00  }
0x36: {  	[spmem:s31], [sflag:s23] =	dma.local [hbm:s7], $0x200  }
0x37: {  	_ =	swait.ge [sflag:s15], $0x200  }
0x38: {  	[sflag:s15] =	ssyncset.done $0x0  }
0x39: {  	s16 =	rddreg [dreg:$0x7];
	[sflag:s15] =	ssyncadd.s32 $0xFFFFFE00  }
0x3a: {  	[spmem:s16], [sflag:s23] =	dma.local [hbm:s7], $0x200  }
0x3b: {  	_ =	swait.ge [sflag:s15], $0x200  }
0x3c: {  	[sflag:s15] =	ssyncset.done $0x0  }
0x3d: {  	s25 =	rddreg [dreg:$0x8];
	[sflag:s15] =	ssyncadd.s32 $0xFFFFFE00  }
0x3e: {  	[spmem:s25], [sflag:s23] =	dma.local [hbm:s7], $0x200  }
0x3f: {  	_ =	swait.ge [sflag:s15], $0x200  }
0x40: {  	[sflag:s15] =	ssyncset.done $0x0  }
0x41: {  	s26 =	rddreg [dreg:$0x9];
	[sflag:s15] =	ssyncadd.s32 $0xFFFFFE00  }
0x42: {  	[spmem:s26], [sflag:s23] =	dma.local [hbm:s7], $0x200  }
0x43: {  	_ =	swait.ge [sflag:s15], $0x200  }
0x44: {  	[sflag:s15] =	ssyncset.done $0x0  }
0x45: {  	s28 =	rddreg [dreg:$0xa];
	[sflag:s15] =	ssyncadd.s32 $0xFFFFFE00  }
0x46: {  	[spmem:s28], [sflag:s23] =	dma.local [hbm:s7], $0x200  }
0x47: {  	_ =	swait.ge [sflag:s15], $0x200  }
0x48: {  	[sflag:s15] =	ssyncset.done $0x0  }
0x49: {  	s29 =	rddreg [dreg:$0xb];
	[sflag:s15] =	ssyncadd.s32 $0xFFFFFE00  }
0x4a: {  	[spmem:s29], [sflag:s23] =	dma.local [hbm:s7], $0x200  }
0x4b: {  	_ =	swait.ge [sflag:s15], $0x200  }
0x4c: {  	[sflag:s15] =	ssyncset.done $0x0  }
0x4d: {  	s30 =	rddreg [dreg:$0xc];
	[sflag:s15] =	ssyncadd.s32 $0xFFFFFE00  }
0x4e: {  	[spmem:s30], [sflag:s23] =	dma.local [hbm:s7], $0x200  }
0x4f: {  	_ =	swait.ge [sflag:s15], $0x200  }
0x50: {  	[sflag:s15] =	ssyncset.done $0x0  }
0x51: {  	s31 =	rddreg [dreg:$0xd];
	[sflag:s15] =	ssyncadd.s32 $0xFFFFFE00  }
0x52: {  	[spmem:s31], [sflag:s23] =	dma.local [hbm:s7], $0x200  }
0x53: {  	_ =	swait.ge [sflag:s15], $0x200  }
0x54: {  	[sflag:s15] =	ssyncset.done $0x0  }
0x55: {  	s16 =	rddreg [dreg:$0xe];
	[sflag:s15] =	ssyncadd.s32 $0xFFFFFE00  }
0x56: {  	[spmem:s16], [sflag:s23] =	dma.local [hbm:s7], $0x200  }
0x57: {  	_ =	swait.ge [sflag:s15], $0x200  }
0x58: {  	[sflag:s15] =	ssyncset.done $0x0  }
0x59: {  	s25 =	rddreg [dreg:$0xf];
	[sflag:s15] =	ssyncadd.s32 $0xFFFFFE00  }
0x5a: {  	[spmem:s25], [sflag:s23] =	dma.local [hbm:s7], $0x200  }
0x5b: {  	_ =	swait.ge [sflag:s15], $0x200  }
0x5c: {  	[sflag:s15] =	ssyncset.done $0x0  }
0x5d: {  	s26 =	rddreg [dreg:$0x10];
	[sflag:s15] =	ssyncadd.s32 $0xFFFFFE00  }
0x5e: {  	[spmem:s26], [sflag:s23] =	dma.local [hbm:s7], $0x200  }
0x5f: {  	_ =	swait.ge [sflag:s15], $0x200  }
0x60: {  	[sflag:s15] =	ssyncset.done $0x0  }
0x61: {  	s28 =	rddreg [dreg:$0x11];
	[sflag:s15] =	ssyncadd.s32 $0xFFFFFE00  }
0x62: {  	[spmem:s28], [sflag:s23] =	dma.local [hbm:s7], $0x200  }
0x63: {  	_ =	swait.ge [sflag:s15], $0x200  }
0x64: {  	[sflag:s15] =	ssyncset.done $0x0  }
0x65: {  	s29 =	rddreg [dreg:$0x12];
	[sflag:s15] =	ssyncadd.s32 $0xFFFFFE00  }
0x66: {  	[spmem:s29], [sflag:s23] =	dma.local [hbm:s7], $0x200  }
0x67: {  	_ =	swait.ge [sflag:s15], $0x200  }
0x68: {  	[sflag:s15] =	ssyncset.done $0x0  }
0x69: {  	s30 =	rddreg [dreg:$0x13];
	[sflag:s15] =	ssyncadd.s32 $0xFFFFFE00  }
0x6a: {  	[spmem:s30], [sflag:s23] =	dma.local [hbm:s7], $0x200  }
0x6b: {  	_ =	swait.ge [sflag:s15], $0x200  }
0x6c: {  	[sflag:s15] =	ssyncset.done $0x0  }
0x6d: {  	s31 =	rddreg [dreg:$0x14];
	[sflag:s15] =	ssyncadd.s32 $0xFFFFFE00  }
0x6e: {  	[spmem:s31], [sflag:s23] =	dma.local [hbm:s7], $0x200  }
0x6f: {  	_ =	swait.ge [sflag:s15], $0x200  }
0x70: {  	[sflag:s15] =	ssyncset.done $0x0  }
0x71: {  	[sflag:s15] =	ssyncadd.s32 $0xFFFFFE00  }
0x72: {  	[spmem:s0], [sflag:s23] =	dma.local [hbm:s7], $0x200  }
0x73: {  	_ =	swait.ge [sflag:s15], $0x200  }
0x74: {  	[sflag:s15] =	ssyncset.done $0x0  }
0x75: {  	[sflag:s15] =	ssyncadd.s32 $0xFFFFFE00  }
0x76: {  	[spmem:s9], [sflag:s23] =	dma.local [hbm:s7], $0x200  }
0x77: {  	_ =	swait.ge [sflag:s15], $0x200  }
0x78: {  	[sflag:s15] =	ssyncset.done $0x0  }
0x79: {  	[sflag:s15] =	ssyncadd.s32 $0xFFFFFE00  }
0x7a: {  	[spmem:s3], [sflag:s23] =	dma.local [hbm:s7], $0x200  }
0x7b: {  	_ =	swait.ge [sflag:s15], $0x200  }
0x7c: {  	[sflag:s15] =	ssyncset.done $0x0  }
0x7d: {  	[sflag:s15] =	ssyncadd.s32 $0xFFFFFE00  }
.LBB2_4:
0x7e: {  	[bflag:$0x0] =	sbarrier.arrive $0xFFFF;
	s25 =	simm.s32 $0x0  }
0x7f: {  	[tilespmem:s25], [sflag:$0x3] =	stream.linear.gather [hbm4b:s10+s25], $0x50, $0x38;
	[tilespmem:$0x1BC00] =	vst v63  }
0x80: {  	_ =	swait.ge [sflag:s15], $0x50  }
0x81: {  	[sflag:s15] =	ssyncset.done $0x0  }
0x82: {  	s14 =	simm.s32 $0x200;
	[sflag:s15] =	ssyncadd.s32 $0xFFFFFFB0  }
0x83: {  	[tilespmem:s14], [sflag:$0x3] =	stream.linear.gather [hbm4b:s11+s25], $0x50, $0x38;
	[tilespmem:$0x1BC00] =	vst v63  }
0x84: {  	_ =	swait.ge [sflag:s15], $0x50  }
0x85: {  	[sflag:s15] =	ssyncset.done $0x0  }
0x86: {  	s14 =	smov.u32 s24;
	[sflag:s15] =	ssyncadd.s32 $0xFFFFFFB0  }
0x87: {  	[tilespmem:s18], [sflag:$0x1] =	stream.indirect.gather [hbm4b:s5+s17], $0x80, s25, s17, $0xb8;
	[tilespmem:$0x1BC00] =	vst v63  }
.LBB2_5:
0x88: {  	p1 =	slt.u32 s25, $0x2  }
0x89: {  	s29 =	simm.s32 @!p1 $0x2  }
0x8a: {  	s28 =	smul.u32 $0xAB, s25;
	p2 =	seq.s32 @!p1 s25, $0x7C;
	_ =	swait.ge @!p1 [sflag:s29], $0x2800  }
0x8b: {  	p2 =	por p1, !p2;
	[sflag:s29] =	ssyncset.done @!p1 $0x0  }
0x8c: {  	[sflag:s29] =	ssyncadd.s32 @!p1 $0xFFFFD800;
	s29 =	sadd.s32 @p2 $0xAB, s28  }
0x8d: {  	s29 =	sshrl.u32 @p2 s29, $0x9  }
0x8e: {  	s29 =	sand.u32 @p2 $0x7F, s29  }
0x8f: {  	s29 =	smul.u32 @p2 $0x3, s29  }
0x90: {  	s26 =	sadd.s32 $0x1, s25  }
0x91: {  	s29 =	ssub.s32 @p2 s26, s29  }
0x92: {  	s30 =	sshrl.u32 @p2 s14, $0x3;
	s29 =	sand.u32 @p2 $0xFF, s29  }
0x93: {  	s16 =	sadd.s32 @p2 s1, s30;
	s31 =	sshll.u32 @p2 s29, $0x7  }
0x94: {  	[tilespmem:s31], [sflag:$0x3] =	stream.linear.gather @p2 [hbm4b:s16+s4], $0x50, $0x38;
	[tilespmem:$0x1BC00] =	vst v63  }
0x95: {  	_ =	swait.ge @p2 [sflag:s15], $0x50  }
0x96: {  	[sflag:s15] =	ssyncset.done @p2 $0x0  }
0x97: {  	s30 =	sadd.s32 @p2 s6, s30;
	s16 =	sadd.s32 @p2 $0x200, s31;
	[sflag:s15] =	ssyncadd.s32 @p2 $0xFFFFFFB0  }
0x98: {  	[tilespmem:s16], [sflag:$0x3] =	stream.linear.gather @p2 [hbm4b:s30+s4], $0x50, $0x38;
	[tilespmem:$0x1BC00] =	vst v63  }
0x99: {  	s16 =	smul.u32 @p2 $0xA000, s29  }
0x9a: {  	_ =	swait.ge @p2 [sflag:s15], $0x50  }
0x9b: {  	[sflag:s15] =	ssyncset.done @p2 $0x0;
	s16 =	sshrl.u32 @p2 s16, $0x2  }
0x9c: {  	s30 =	sshrl.u32 s28, $0x9;
	[sflag:s15] =	ssyncadd.s32 @p2 $0xFFFFFFB0;
	s16 =	sor.u32 @p2 $0x400, s16  }
0x9d: {  	[tilespmem:s16], [sflag:$0x1] =	stream.indirect.gather @p2 [hbm4b:s5+s17], $0x80, s31, s17, $0xb8;
	[tilespmem:$0x1BC00] =	vst v63  }
0x9e: {  	s16 =	sand.u32 $0x7F, s30  }
0x9f: {  	s16 =	smul.u32 $0x3, s16;
	_ =	sdelay $0x1  }
0xa0: {  	s16 =	ssub.s32 s25, s16  }
0xa1: {  	s16 =	sand.u32 $0xFF, s16  }
0xa2: {  	p1 =	sne.s32 s26, $0x7D;
	s31 =	smul.u32 $0xA000, s16  }
.Ltmp2:
0xa3: {  	_ =	swait.ge [sflag:s19], $0x2800;
	(pc) =	sbr.rel @p1 .LBB2_5-.Ltmp2, $4  }
0xa4: {  	[sflag:s19] =	ssyncset.done $0x0;
	s16 =	sshll.u32 s16, $0x7;
	s25 =	sshrl.u32 s31, $0x2  }
0xa5: {  	[sflag:s19] =	ssyncadd.s32 $0xFFFFD800;
	s16 =	sadd.s32 $0x200, s16;
	s25 =	sor.u32 $0x400, s25  }
0xa6: {  	[spmem:s2] =	stream.indirect.scatter.add.f32 [tilespmem:s25], [sflag:$0x2], $0x80, s16, s17, $0xb8;
	[tilespmem:$0x1BC00] =	vst v63  }
0xa7: {  	s14 =	sadd.s32 $0x50, s14;
	s25 =	smov.u32 s26  }
0xa8: {  	_ =	swait.ge [sflag:s20], $0x2800  }
0xa9: {  	[sflag:s20] =	ssyncset.done $0x0  }
0xaa: {  	[sflag:s20] =	ssyncadd.s32 $0xFFFFD800  }
0xab: {  	_ =	swait.ge [sflag:s20], $0x2800  }
0xac: {  	s21 =	sadd.s32 $0x1, s21;
	[sflag:s20] =	ssyncset.done $0x0  }
0xad: {  	p1 =	sne.s32 s21, s13;
	[sflag:s20] =	ssyncadd.s32 $0xFFFFD800  }
.Ltmp3:
0xae: {  	[bflag:$0x0] =	sbarrier.arrive $0xFFFF;
	(pc) =	sbr.rel @p1 .LBB2_1-.Ltmp3, $4  }
0xaf: {  	[hbm:s12], [sflag:s23] =	dma.local [spmem:s22], $0x2800  }
0xb0: {  	_ =	swait.ge [sflag:s15], $0x2800  }
0xb1: {  	[sflag:s15] =	ssyncset.done $0x0  }
0xb2: {  	[sflag:s15] =	ssyncadd.s32 $0xFFFFD800  }
0xb3: {  	_ =	sfence.sel $0x180000  }
0xb4: {  	[bflag:$0x0] =	sbarrier.arrive $0xFFFF  }
0xb5: {  	_ =	strace $0x9000004D  }
0xb6: {  	s0 =	stileid.u32;
	[bflag:$0x2] =	sbarrier.arrive $0xFFFF  }
0xb7: {  	p0 =	sne.s32 s0, $0x0;
	s0 =	rddreg [dreg:$0x3]  }
0xb8: {  	s0 =	sadd.s32 @!p0 $0x100000, s0  }
0xb9: {  	[sflag:s0] =	ssyncadd.tile.s32 @!p0 $0x1;
	_ =	shalt  }
.Lfunc_end2:
_tile_overlayer_lowered:
.L_overlay_start_2:
0xba: {  	(tag) =	ssettag $0x2  }
0xbb: {  	s0 =	rddreg [dreg:$0x0];
	s2 =	stileid.u32  }
0xbc: {  	s1 =	rddreg [dreg:$0x1];
	p0 =	sne.s32 s2, $0x0  }
0xbd: {  	s3 =	rddreg [dreg:$0x2];
	[bflag:$0x3] =	sbarrier.arrive $0xFFFF;
	s2 =	simm.s32 @!p0 $0x1C03  }
0xbe: {  	[timem:s3], [sflag:s2] =	dma.local @!p0 [hbm:s0], s1  }
0xbf: {  	s0 =	simm.s32 @!p0 $0x3  }
0xc0: {  	_ =	swait.ge @!p0 [sflag:s0], s1  }
0xc1: {  	s1 =	ssub.s32 @!p0 $0x0, s1;
	[sflag:s0] =	ssyncset.done @!p0 $0x0  }
0xc2: {  	[sflag:s0] =	ssyncadd.s32 @!p0 s1  }
0xc3: {  	[bflag:$0x3] =	sbarrier.arrive $0xFFFF  }
0xc4: {  	_ =	shalt  }

// kernel: kernel.9.cloned.1.call-start
scs
__scs_entry_jumppad:
0x0: {  	(pc) =	sbr.rel $0x88, $3  }
0x1: {  	(tag) =	ssettag $0x0;
	lr =	simm.s32 $0x1  }
0x2: {  	[smem:$0x3F9B] =	sst lr;
	_ =	strace $0xD0000000  }
0x3: {  	_ = 	snop  }
0x4: {  	_ = 	snop  }
0x5: {  	_ = 	snop  }
0x6: {  	_ = 	snop  }
0x7: {  	_ = 	snop  }
__scs_overlays_trampoline_lowered:
0x8: {  	[smem:$0x3FAA] =	sst s0  }
0x9: {  	[smem:$0x3FAB] =	sst s1  }
0xa: {  	[smem:$0x3FAC] =	sst s2  }
0xb: {  	[smem:$0x3FAD] =	sst s3  }
0xc: {  	[smem:$0x3FAE] =	sst s4  }
0xd: {  	[smem:$0x3FAF] =	sst s5  }
0xe: {  	[smem:$0x3FB0] =	sst s6  }
0xf: {  	[smem:$0x3FB1] =	sst s7  }
0x10: {  	[smem:$0x3FB2] =	sst s8  }
0x11: {  	[smem:$0x3FB3] =	sst s9;
	s0 =	simm.s32 @!p0 $0x0  }
0x12: {  	s1 =	sld [smem:$0x3F99];
	s0 =	simm.s32 @p0 $0x1  }
0x13: {  	[smem:$0x3FB4] =	sst s0;
	s0 =	simm.s32 @!p1 $0x0  }
0x14: {  	s2 =	sld [smem:$0x3F98];
	s0 =	simm.s32 @p1 $0x1  }
0x15: {  	[smem:$0x3FB5] =	sst s0;
	s0 =	simm.s32 @!p2 $0x0  }
0x16: {  	s3 =	sld [smem:$0x3FDB];
	s0 =	simm.s32 @p2 $0x1  }
0x17: {  	s4 =	simm.s32 $0x1BF5;
	[smem:$0x3FB7] =	sst s0  }
0x18: {  	s0 =	sld [smem:$0x3F9A];
	_ =	swait.ge [sflag:s4], $0x0  }
0x19: {  	s7 =	sld [smem:$0x3F9B]  }
0x1a: {  	s8 =	sadd.s32 $0xFFFFE003, lr  }
0x1b: {  	s9 =	sadd.s32 $0xFFFFFEF7, lr;
	s5 =	simm.s32 $0xFFFFFFFF;
	p2 =	slt.u32 s8, $0xFFFFF086  }
0x1c: {  	p1 =	slt.u32 s9, $0xF7A;
	s5 =	simm.s32 @!p2 $0x0  }
0x1d: {  	s5 =	simm.s32 @p1 $0x1;
	p0 =	seq.s32 s7, s2  }
0x1e: {  	s7 =	smul.u32 @!p0 $0xF7A, s2;
	p2 =	seq.s32 @!p0 s5, $0x0  }
0x1f: {  	s9 =	smul.u32 $0xF7A, s1;
	s8 =	simm.s32 @!p0 $0x1BF5;
	p2 =	por !p2, p0  }
0x20: {  	[sflag:s8] =	ssyncset.s32 @!p0 $0xFFFFF086;
	s6 =	sadd.s32 @!p0 s3, s7;
	s7 =	simm.s32 @!p0 $0x108  }
0x21: {  	s3 =	sadd.s32 s3, s9;
	s6 =	sadd.s32 @!p0 $0x88, s6;
	s7 =	simm.s32 @p2 $0x1082  }
0x22: {  	[simem:s7], [sflag:s8] =	dma.local @!p0 [hbm:s6], $0xF7A  }
0x23: {  	s9 =	sor.u32 $0xD0000000, s2;
	s6 =	simm.s32 $0x108;
	_ =	swait.ge @!p0 [sflag:s8], $0x0  }
0x24: {  	s3 =	sadd.s32 $0x88, s3;
	s6 =	simm.s32 @!p1 $0x1082;
	[sflag:s4] =	ssyncset.s32 $0xFFFFF086  }
0x25: {  	[simem:s6], [sflag:s4] =	dma.local [hbm:s3], $0xF7A  }
0x26: {  	[smem:$0x3F9B] =	sst s1;
	(tag) =	ssettag s2;
	_ =	strace s9  }
0x27: {  	s1 =	sld [smem:$0x3FAB]  }
0x28: {  	s2 =	sld [smem:$0x3FAC]  }
0x29: {  	s4 =	sld [smem:$0x3FAE]  }
0x2a: {  	p0 =	seq.s32 s5, $0x0;
	s5 =	sld [smem:$0x3FAF]  }
0x2b: {  	s6 =	sld [smem:$0x3FB0]  }
0x2c: {  	s7 =	sld [smem:$0x3FB1]  }
0x2d: {  	s3 =	simm.s32 $0x108;
	s8 =	sld [smem:$0x3FB2]  }
0x2e: {  	s3 =	simm.s32 @!p0 $0x1082;
	s9 =	sld [smem:$0x3FB3]  }
0x2f: {  	lr =	sadd.s32 s0, s3;
	s0 =	sld [smem:$0x3FAA]  }
0x30: {  	s3 =	sld [smem:$0x3FAD]  }
0x31: {  	[smem:$0x3FB6] =	sst s10  }
0x32: {  	s10 =	sld [smem:$0x3FB4];
	_ =	sdelay $0x3  }
0x33: {  	p0 =	seq.s32 s10, $0x1;
	s10 =	sld [smem:$0x3FB6];
	_ =	sdelay $0x3  }
0x34: {  	[smem:$0x3FB6] =	sst s10  }
0x35: {  	s10 =	sld [smem:$0x3FB5];
	_ =	sdelay $0x3  }
0x36: {  	p1 =	seq.s32 s10, $0x1;
	s10 =	sld [smem:$0x3FB6];
	_ =	sdelay $0x3  }
0x37: {  	[smem:$0x3FB6] =	sst s10  }
0x38: {  	s10 =	sld [smem:$0x3FB7]  }
0x39: {  	_ = 	snop;
	(pc) =	sbr.ind lr, $3  }
0x3a: {  	_ = 	snop  }
0x3b: {  	_ = 	snop  }
0x3c: {  	p2 =	seq.s32 s10, $0x1;
	s10 =	sld [smem:$0x3FB6]  }
0x3d: {  	_ =	shalt  }
0x3e: {  	_ =	shalt  }
0x3f: {  	_ =	shalt  }
0x40: {  	_ =	shalt  }
0x41: {  	_ =	shalt  }
0x42: {  	_ =	shalt  }
0x43: {  	_ =	shalt  }
0x44: {  	_ =	shalt  }
0x45: {  	_ =	shalt  }
0x46: {  	_ =	shalt  }
0x47: {  	_ =	shalt  }
0x48: {  	_ =	shalt  }
0x49: {  	_ =	shalt  }
0x4a: {  	_ =	shalt  }
0x4b: {  	_ =	shalt  }
0x4c: {  	_ =	shalt  }
0x4d: {  	_ =	shalt  }
0x4e: {  	_ =	shalt  }
0x4f: {  	_ =	shalt  }
0x50: {  	_ =	shalt  }
0x51: {  	_ =	shalt  }
0x52: {  	_ =	shalt  }
0x53: {  	_ =	shalt  }
0x54: {  	_ =	shalt  }
0x55: {  	_ =	shalt  }
0x56: {  	_ =	shalt  }
0x57: {  	_ =	shalt  }
0x58: {  	_ =	shalt  }
0x59: {  	_ =	shalt  }
0x5a: {  	_ =	shalt  }
0x5b: {  	_ =	shalt  }
0x5c: {  	_ =	shalt  }
0x5d: {  	_ =	shalt  }
0x5e: {  	_ =	shalt  }
0x5f: {  	_ =	shalt  }
0x60: {  	_ =	shalt  }
0x61: {  	_ =	shalt  }
0x62: {  	_ =	shalt  }
0x63: {  	_ =	shalt  }
0x64: {  	_ =	shalt  }
0x65: {  	_ =	shalt  }
0x66: {  	_ =	shalt  }
0x67: {  	_ =	shalt  }
0x68: {  	_ =	shalt  }
0x69: {  	_ =	shalt  }
0x6a: {  	_ =	shalt  }
0x6b: {  	_ =	shalt  }
0x6c: {  	_ =	shalt  }
0x6d: {  	_ =	shalt  }
0x6e: {  	_ =	shalt  }
0x6f: {  	_ =	shalt  }
0x70: {  	_ =	shalt  }
0x71: {  	_ =	shalt  }
0x72: {  	_ =	shalt  }
0x73: {  	_ =	shalt  }
0x74: {  	_ =	shalt  }
0x75: {  	_ =	shalt  }
0x76: {  	_ =	shalt  }
0x77: {  	_ =	shalt  }
0x78: {  	_ =	shalt  }
0x79: {  	_ =	shalt  }
0x7a: {  	_ =	shalt  }
0x7b: {  	_ =	shalt  }
0x7c: {  	_ =	shalt  }
0x7d: {  	_ =	shalt  }
0x7e: {  	_ =	shalt  }
0x7f: {  	_ =	shalt  }
0x80: {  	_ =	shalt  }
0x81: {  	_ =	shalt  }
0x82: {  	_ =	shalt  }
0x83: {  	_ =	shalt  }
0x84: {  	_ =	shalt  }
0x85: {  	_ =	shalt  }
0x86: {  	_ =	shalt  }
0x87: {  	_ =	shalt  }
.Lfunc_end0:
.L_simem_size_0:
called_computation_lowered:
.L_overlay_start_0:
0x88: {  	s2 =	sld [smem:$0x3FD9]  }
0x89: {  	s3 =	sld [smem:$0x3FFE];
	_ =	sdelay $0x1  }
0x8a: {  	s1 =	srdreg.scid  }
0x8b: {  	s0 =	sand.u32 $0x1, s1  }
0x8c: {  	s16 =	sshll.u32 s0, $0xA;
	s2 =	sadd.s32 s3, s2  }
0x8d: {  	s2 =	sadd.s32 s2, s16  }
0x8e: {  	[smem:$0x3FC2] =	sst s2  }
0x8f: {  	_ = 	snop  }
0x90: {  	(tm) =	ssettm $0x1  }
0x91: {  	s17 =	sld [smem:$0x3FFB];
	_ =	sdelay $0x3  }
0x92: {  	_ =	strace s17  }
0x93: {  	s2 =	sld [smem:$0x3FFC];
	_ =	sdelay $0x3  }
0x94: {  	_ =	strace s2  }
0x95: {  	s2 =	sld [smem:$0x3FFD];
	_ =	sdelay $0x3  }
0x96: {  	_ =	strace s2  }
0x97: {  	_ =	strace $0x8FFFFFFF  }
0x98: {  	s18 =	sld [smem:$0x3FDB];
	_ =	sdelay $0x1  }
0x99: {  	s19 =	simm.s32 $_scs_section_size  }
0x9a: {  	s4 =	simm.s32 $_size__tile_overlayer_lowered;
	s5 =	simm.s32 $_tile_overlayer_lowered  }
0x9b: {  	s22 =	simm.s32 $0x1BFF;
	s21 =	sshll.u32 s5, $0x1;
	s2 =	sadd.s32 s19, s18  }
0x9c: {  	s6 =	simm.s32 $0x0;
	s20 =	sshll.u32 s4, $0x1;
	s4 =	sadd.s32 s21, s2  }
0x9d: {  	[timem:s6], [sflag:s22] =	dma.local [hbm:s4], s20  }
0x9e: {  	_ =	swait.ge [sflag:s22], s20  }
0x9f: {  	s3 =	ssub.s32 $0x0, s20;
	[sflag:s22] =	ssyncset.done $0x0  }
0xa0: {  	[sflag:s22] =	ssyncadd.s32 s3;
	_ =	sdelay $0x1  }
0xa1: {  	s23 =	simm.s32 $0x1B8B  }
0xa2: {  	_ =	swait.ge [sflag:s23], $0x1  }
0xa3: {  	[sflag:s23] =	ssyncset.done $0x0  }
0xa4: {  	s25 =	simm.s32 $0x1B8E;
	s24 =	sld [smem:$0x3FFE];
	[sflag:s23] =	ssyncadd.s32 $0xFFFFFFFF  }
0xa5: {  	s26 =	simm.s32 $execute0_lowered;
	[smem:$0x3FD2] =	sst s25  }
0xa6: {  	s4 =	sshll.u32 s26, $0x1;
	_ =	strace $0x80000046;
	[dreg:$0x1] =	wrdreg $0xFFFFFFFF  }
0xa7: {  	s28 =	simm.s32 $_size_execute0_lowered;
	s2 =	sadd.s32 s2, s4;
	[dreg:$0x0] =	wrdreg $0x0  }
0xa8: {  	s4 =	sshll.u32 s28, $0x1;
	[dreg:$0x2] =	wrdreg s2  }
0xa9: {  	[dreg:$0x3] =	wrdreg s4  }
0xaa: {  	[dreg:$0x4] =	wrdreg $0xC0  }
0xab: {  	_ =	task [dreg:s6], $0x5FFFF  }
0xac: {  	[dreg:$0x1] =	wrdreg $0xFFFFFFFF  }
0xad: {  	[dreg:$0x0] =	wrdreg $0x60  }
0xae: {  	[dreg:$0x2] =	wrdreg s24  }
0xaf: {  	[dreg:$0x3] =	wrdreg $0x17A00  }
0xb0: {  	[dreg:$0x4] =	wrdreg $0x9  }
0xb1: {  	_ =	task.clear_ibuf [dreg:s6], $0x5FFFF;
	_ =	strace $0x90000046  }
0xb2: {  	s29 =	simm.s32 $0x9;
	_ =	strace $0x80000048  }
0xb3: {  	_ =	swait.ge [sflag:s29], $0x1  }
0xb4: {  	[sflag:s29] =	ssyncadd.s32 $0xFFFFFFFF  }
0xb5: {  	_ =	strace $0x90000048  }
0xb6: {  	_ =	sfence  }
0xb7: {  	s30 =	sld [smem:$0x0];
	_ =	sdelay $0x2  }
0xb8: {  	s31 =	sshll.u32 s1, $0xD;
	s1 =	sshrl.u32 s1, $0x2  }
0xb9: {  	s3 =	sand.u32 $0x4000, s31;
	s1 =	sadd.s32 s1, s30  }
0xba: {  	s0 =	sor.u32 s3, s0;
	s1 =	sshll.u32 s1, $0x11  }
0xbb: {  	s0 =	sor.u32 s1, s0  }
0xbc: {  	s0 =	sadd.s32 $0x8F2B, s0  }
0xbd: {  	[sflag:s0] =	ssyncadd.remote.s32 $0x1  }
0xbe: {  	_ =	sfence.sel $0xFFFF  }
0xbf: {  	[dreg:$0x0] =	wrdreg $0xFFFFFFFF;
	(pc) =	sbr.abs _section_cstart, $3  }
0xc0: {  	[dreg:$0x1] =	wrdreg $0xFFFFFFFF  }
0xc1: {  	_ =	task.clear_ibuf [dreg:s6], $0x2FFFF;
	_ =	strace $0x9FFFFFFF  }
0xc2: {  	(tm) =	ssettm $0x7FFFFFFF  }
0xc3: {  	_ =	shalt  }
tec
execute0_lowered:
.L_overlay_start_1:
0x0: {  	(tag) =	ssettag $0x1  }
0x1: {  	s0 =	rddreg [dreg:$0x0]  }
0x2: {  	s1 =	rddreg [dreg:$0x1];
	s3 =	simm.s32 $0x0  }
0x3: {  	s2 =	srdreg.scid;
	s10 =	stileid.u32;
	s12 =	simm.s32 $0x7A0  }
0x4: {  	s13 =	simm.s32 $0x0;
	[smem:$0x7FF] =	sst s3;
	s8 =	sadd.s32 $0x1E00, s0  }
0x5: {  	s2 =	sand.u32 $0x1, s2;
	s4 =	sshll.u32 s10, $0x1;
	s7 =	smul.u32 $0xA000, s10  }
0x6: {  	s16 =	smul.u32 $0x4E20, s10;
	_ =	strace $0x80000047;
	s5 =	ssub.s32 $0x2, s2  }
0x7: {  	s6 =	sor.u32 s2, s4;
	s4 =	sadd.s32 $0xBC00, s0;
	s14 =	sshrl.u32 s5, $0x1  }
0x8: {  	s19 =	smul.u32 $0x2710, s2;
	s15 =	sshrl.u32 s7, $0x2;
	s0 =	ssub.s32 s5, s14  }
0x9: {  	s9 =	smul.u32 $0x2710, s6;
	s6 =	sadd.s32 s15, s1;
	s0 =	smax.u32 s0, $0x1  }
0xa: {  	p0 =	seq.s32 s2, $0x0;
	s17 =	sadd.s32 $0x200, s6;
	[dreg:$0x3] =	wrdreg s0  }
0xb: {  	s7 =	smul.u32 $0x140000, s2;
	s18 =	sadd.s32 $0x400, s6;
	[dreg:$0x4] =	wrdreg s17  }
0xc: {  	s2 =	simm.s32 $0x50;
	s20 =	sadd.s32 $0x600, s6;
	[dreg:$0x5] =	wrdreg s18  }
0xd: {  	s5 =	smul.u32 $0x280, s10;
	s21 =	sadd.s32 $0x800, s6;
	[dreg:$0x6] =	wrdreg s20  }
0xe: {  	s10 =	simm.s32 $0x1;
	s22 =	sadd.s32 $0xA00, s6;
	[dreg:$0x7] =	wrdreg s21  }
0xf: {  	s9 =	sshrl.u32 s9, $0x3;
	s23 =	sadd.s32 $0xC00, s6;
	[dreg:$0x8] =	wrdreg s22  }
0x10: {  	s24 =	sadd.s32 $0xE00, s6;
	s25 =	sadd.s32 $0x1000, s6;
	[dreg:$0x9] =	wrdreg s23  }
0x11: {  	s26 =	sadd.s32 $0x1200, s6;
	s28 =	sadd.s32 $0x2200, s6;
	[dreg:$0xa] =	wrdreg s24  }
0x12: {  	s29 =	sadd.s32 $0x2400, s6;
	s30 =	sadd.s32 $0x2600, s6;
	[dreg:$0xb] =	wrdreg s25  }
0x13: {  	s11 =	sadd.s32 s8, s9;
	s0 =	sadd.s32 s19, s16;
	[dreg:$0xc] =	wrdreg s26  }
0x14: {  	s19 =	sadd.s32 $0x1400, s6;
	s20 =	sadd.s32 $0x1600, s6;
	s21 =	sadd.s32 $0x1800, s6  }
0x15: {  	s22 =	sadd.s32 $0x1A00, s6;
	s24 =	sadd.s32 $0x1C00, s6;
	s25 =	sadd.s32 $0x1E00, s6  }
0x16: {  	s26 =	sadd.s32 $0x2000, s6;
	s9 =	simm.s32 $0xA0;
	s0 =	sadd.s32 $0xA0, s0  }
0x17: {  	v0 =	vimm.f32 $1.000000000e+00;
	s18 =	smov.u32 s11;
	s31 =	sadd.s32 $0xA, s11;
	s0 =	sshrl.u32 s0, $0x3  }
0x18: {  	v1 =	vpsel !p0, $0x0, v0;
	s11 =	simm.s32 $0x2;
	s23 =	sadd.s32 s0, s8;
	s0 =	simm.s32 $0x5A0  }
.LBB2_1:
0x19: {  	s8 =	simm.s32 $0x40;
	s14 =	simm.s32 $0x0  }
.LBB2_2:
0x1a: {  	p0 =	sne.s32 s8, $0x13C0;
	[tilespmem:s14+$0xA0] =	vst v0;
	s14 =	smov.u32 s8;
	s8 =	sadd.s32 $0x40, s8  }
.Ltmp0:
0x1b: {  	(pc) =	sbr.rel @p0 .LBB2_2-.Ltmp0, $2  }
0x1c: {  	_ =	sdelay $0x2  }
0x1d: {  	s14 =	sshra.s32 s14, $0x2  }
0x1e: {  	[tilespmem:s14+$0xA0] =	vst v0  }
0x1f: {  	[tilespmem:$0x5A0] =	vst v1  }
0x20: {  	[tilespmem:$0x5B0] =	vst v1  }
0x21: {  	[tilespmem:$0x5C0] =	vst v1  }
0x22: {  	[tilespmem:$0x5D0] =	vst v1  }
0x23: {  	[tilespmem:$0x5E0] =	vst v1  }
0x24: {  	[tilespmem:$0x5F0] =	vst v1  }
0x25: {  	[tilespmem:$0x600] =	vst v1  }
0x26: {  	[tilespmem:$0x610] =	vst v1  }
0x27: {  	[tilespmem:$0x620] =	vst v1  }
0x28: {  	[tilespmem:$0x630] =	vst v1  }
0x29: {  	[tilespmem:$0x640] =	vst v1  }
0x2a: {  	[tilespmem:$0x650] =	vst v1  }
0x2b: {  	[tilespmem:$0x660] =	vst v1  }
0x2c: {  	[tilespmem:$0x670] =	vst v1  }
0x2d: {  	[tilespmem:$0x680] =	vst v1  }
0x2e: {  	[tilespmem:$0x690] =	vst v1  }
0x2f: {  	[tilespmem:$0x6A0] =	vst v1  }
0x30: {  	[tilespmem:$0x6B0] =	vst v1  }
0x31: {  	[tilespmem:$0x6C0] =	vst v1  }
0x32: {  	[tilespmem:$0x6D0] =	vst v1  }
0x33: {  	[tilespmem:$0x6E0] =	vst v1  }
0x34: {  	[tilespmem:$0x6F0] =	vst v1  }
0x35: {  	[tilespmem:$0x700] =	vst v1  }
0x36: {  	[tilespmem:$0x710] =	vst v1  }
0x37: {  	[tilespmem:$0x720] =	vst v1  }
0x38: {  	[tilespmem:$0x730] =	vst v1  }
0x39: {  	[tilespmem:$0x740] =	vst v1  }
0x3a: {  	[tilespmem:$0x750] =	vst v1  }
0x3b: {  	[tilespmem:$0x760] =	vst v1  }
0x3c: {  	[tilespmem:$0x770] =	vst v1  }
0x3d: {  	[tilespmem:$0x780] =	vst v1  }
0x3e: {  	s14 =	simm.s32 $0x2;
	[tilespmem:$0x790] =	vst v1  }
0x3f: {  	[spmem:s6] =	stream.linear.scatter [tilespmem:s0], [sflag:$0x2], $0x200, $0x38;
	[tilespmem:$0x3FA0] =	vst v63  }
0x40: {  	_ =	swait.ge [sflag:s14], $0x200  }
0x41: {  	[sflag:s14] =	ssyncset.done $0x0  }
0x42: {  	s8 =	rddreg [dreg:$0x4];
	[sflag:s14] =	ssyncadd.s32 $0xFFFFFE00  }
0x43: {  	[spmem:s8] =	stream.linear.scatter [tilespmem:s0], [sflag:$0x2], $0x200, $0x38;
	[tilespmem:$0x3FA0] =	vst v63  }
0x44: {  	_ =	swait.ge [sflag:s14], $0x200  }
0x45: {  	[sflag:s14] =	ssyncset.done $0x0  }
0x46: {  	s16 =	rddreg [dreg:$0x5];
	[sflag:s14] =	ssyncadd.s32 $0xFFFFFE00  }
0x47: {  	[spmem:s16] =	stream.linear.scatter [tilespmem:s0], [sflag:$0x2], $0x200, $0x38;
	[tilespmem:$0x3FA0] =	vst v63  }
0x48: {  	_ =	swait.ge [sflag:s14], $0x200  }
0x49: {  	[sflag:s14] =	ssyncset.done $0x0  }
0x4a: {  	s17 =	rddreg [dreg:$0x6];
	[sflag:s14] =	ssyncadd.s32 $0xFFFFFE00  }
0x4b: {  	[spmem:s17] =	stream.linear.scatter [tilespmem:s0], [sflag:$0x2], $0x200, $0x38;
	[tilespmem:$0x3FA0] =	vst v63  }
0x4c: {  	_ =	swait.ge [sflag:s14], $0x200  }
0x4d: {  	[sflag:s14] =	ssyncset.done $0x0  }
0x4e: {  	s15 =	rddreg [dreg:$0x7];
	[sflag:s14] =	ssyncadd.s32 $0xFFFFFE00  }
0x4f: {  	[spmem:s15] =	stream.linear.scatter [tilespmem:s0], [sflag:$0x2], $0x200, $0x38;
	[tilespmem:$0x3FA0] =	vst v63  }
0x50: {  	_ =	swait.ge [sflag:s14], $0x200  }
0x51: {  	[sflag:s14] =	ssyncset.done $0x0  }
0x52: {  	s16 =	rddreg [dreg:$0x8];
	[sflag:s14] =	ssyncadd.s32 $0xFFFFFE00  }
0x53: {  	[spmem:s16] =	stream.linear.scatter [tilespmem:s0], [sflag:$0x2], $0x200, $0x38;
	[tilespmem:$0x3FA0] =	vst v63  }
0x54: {  	_ =	swait.ge [sflag:s14], $0x200  }
0x55: {  	[sflag:s14] =	ssyncset.done $0x0  }
0x56: {  	s17 =	rddreg [dreg:$0x9];
	[sflag:s14] =	ssyncadd.s32 $0xFFFFFE00  }
0x57: {  	[spmem:s17] =	stream.linear.scatter [tilespmem:s0], [sflag:$0x2], $0x200, $0x38;
	[tilespmem:$0x3FA0] =	vst v63  }
0x58: {  	_ =	swait.ge [sflag:s14], $0x200  }
0x59: {  	[sflag:s14] =	ssyncset.done $0x0  }
0x5a: {  	s15 =	rddreg [dreg:$0xa];
	[sflag:s14] =	ssyncadd.s32 $0xFFFFFE00  }
0x5b: {  	[spmem:s15] =	stream.linear.scatter [tilespmem:s0], [sflag:$0x2], $0x200, $0x38;
	[tilespmem:$0x3FA0] =	vst v63  }
0x5c: {  	_ =	swait.ge [sflag:s14], $0x200  }
0x5d: {  	[sflag:s14] =	ssyncset.done $0x0  }
0x5e: {  	s16 =	rddreg [dreg:$0xb];
	[sflag:s14] =	ssyncadd.s32 $0xFFFFFE00  }
0x5f: {  	[spmem:s16] =	stream.linear.scatter [tilespmem:s0], [sflag:$0x2], $0x200, $0x38;
	[tilespmem:$0x3FA0] =	vst v63  }
0x60: {  	_ =	swait.ge [sflag:s14], $0x200  }
0x61: {  	[sflag:s14] =	ssyncset.done $0x0  }
0x62: {  	s17 =	rddreg [dreg:$0xc];
	[sflag:s14] =	ssyncadd.s32 $0xFFFFFE00  }
0x63: {  	[spmem:s17] =	stream.linear.scatter [tilespmem:s0], [sflag:$0x2], $0x200, $0x38;
	[tilespmem:$0x3FA0] =	vst v63  }
0x64: {  	_ =	swait.ge [sflag:s14], $0x200  }
0x65: {  	[sflag:s14] =	ssyncset.done $0x0  }
0x66: {  	[sflag:s14] =	ssyncadd.s32 $0xFFFFFE00  }
0x67: {  	[spmem:s19] =	stream.linear.scatter [tilespmem:s0], [sflag:$0x2], $0x200, $0x38;
	[tilespmem:$0x3FA0] =	vst v63  }
0x68: {  	_ =	swait.ge [sflag:s14], $0x200  }
0x69: {  	[sflag:s14] =	ssyncset.done $0x0  }
0x6a: {  	[sflag:s14] =	ssyncadd.s32 $0xFFFFFE00  }
0x6b: {  	[spmem:s20] =	stream.linear.scatter [tilespmem:s0], [sflag:$0x2], $0x200, $0x38;
	[tilespmem:$0x3FA0] =	vst v63  }
0x6c: {  	_ =	swait.ge [sflag:s14], $0x200  }
0x6d: {  	[sflag:s14] =	ssyncset.done $0x0  }
0x6e: {  	[sflag:s14] =	ssyncadd.s32 $0xFFFFFE00  }
0x6f: {  	[spmem:s21] =	stream.linear.scatter [tilespmem:s0], [sflag:$0x2], $0x200, $0x38;
	[tilespmem:$0x3FA0] =	vst v63  }
0x70: {  	_ =	swait.ge [sflag:s14], $0x200  }
0x71: {  	[sflag:s14] =	ssyncset.done $0x0  }
0x72: {  	[sflag:s14] =	ssyncadd.s32 $0xFFFFFE00  }
0x73: {  	[spmem:s22] =	stream.linear.scatter [tilespmem:s0], [sflag:$0x2], $0x200, $0x38;
	[tilespmem:$0x3FA0] =	vst v63  }
0x74: {  	_ =	swait.ge [sflag:s14], $0x200  }
0x75: {  	[sflag:s14] =	ssyncset.done $0x0  }
0x76: {  	[sflag:s14] =	ssyncadd.s32 $0xFFFFFE00  }
0x77: {  	[spmem:s24] =	stream.linear.scatter [tilespmem:s0], [sflag:$0x2], $0x200, $0x38;
	[tilespmem:$0x3FA0] =	vst v63  }
0x78: {  	_ =	swait.ge [sflag:s14], $0x200  }
0x79: {  	[sflag:s14] =	ssyncset.done $0x0  }
0x7a: {  	[sflag:s14] =	ssyncadd.s32 $0xFFFFFE00  }
0x7b: {  	[spmem:s25] =	stream.linear.scatter [tilespmem:s0], [sflag:$0x2], $0x200, $0x38;
	[tilespmem:$0x3FA0] =	vst v63  }
0x7c: {  	_ =	swait.ge [sflag:s14], $0x200  }
0x7d: {  	[sflag:s14] =	ssyncset.done $0x0  }
0x7e: {  	[sflag:s14] =	ssyncadd.s32 $0xFFFFFE00  }
0x7f: {  	[spmem:s26] =	stream.linear.scatter [tilespmem:s0], [sflag:$0x2], $0x200, $0x38;
	[tilespmem:$0x3FA0] =	vst v63  }
0x80: {  	_ =	swait.ge [sflag:s14], $0x200  }
0x81: {  	[sflag:s14] =	ssyncset.done $0x0  }
0x82: {  	[sflag:s14] =	ssyncadd.s32 $0xFFFFFE00  }
0x83: {  	[spmem:s28] =	stream.linear.scatter [tilespmem:s0], [sflag:$0x2], $0x200, $0x38;
	[tilespmem:$0x3FA0] =	vst v63  }
0x84: {  	_ =	swait.ge [sflag:s14], $0x200  }
0x85: {  	[sflag:s14] =	ssyncset.done $0x0  }
0x86: {  	[sflag:s14] =	ssyncadd.s32 $0xFFFFFE00  }
0x87: {  	[spmem:s29] =	stream.linear.scatter [tilespmem:s0], [sflag:$0x2], $0x200, $0x38;
	[tilespmem:$0x3FA0] =	vst v63  }
0x88: {  	_ =	swait.ge [sflag:s14], $0x200  }
0x89: {  	[sflag:s14] =	ssyncset.done $0x0  }
0x8a: {  	[sflag:s14] =	ssyncadd.s32 $0xFFFFFE00  }
0x8b: {  	[spmem:s30] =	stream.linear.scatter [tilespmem:s0], [sflag:$0x2], $0x200, $0x38;
	[tilespmem:$0x3FA0] =	vst v63  }
0x8c: {  	_ =	swait.ge [sflag:s14], $0x200  }
0x8d: {  	[sflag:s14] =	ssyncset.done $0x0  }
0x8e: {  	[sflag:s14] =	ssyncadd.s32 $0xFFFFFE00  }
0x8f: {  	[bflag:$0x0] =	sbarrier.arrive $0xFFFF  }
0x90: {  	[tilespmem:s3], [sflag:$0x2] =	stream.linear.gather [hbm4b:s18+s3], $0x50, $0x38;
	[tilespmem:$0x3FA0] =	vst v63  }
0x91: {  	_ =	swait.ge [sflag:s14], $0x50  }
0x92: {  	[sflag:s14] =	ssyncset.done $0x0  }
0x93: {  	[sflag:s14] =	ssyncadd.s32 $0xFFFFFFB0  }
0x94: {  	[tilespmem:s2], [sflag:$0x2] =	stream.linear.gather [hbm4b:s31+s3], $0x50, $0x38;
	[tilespmem:$0x3FA0] =	vst v63  }
0x95: {  	_ =	swait.ge [sflag:s14], $0x50  }
0x96: {  	[sflag:s14] =	ssyncset.done $0x0  }
0x97: {  	s8 =	smov.u32 s23;
	[sflag:s14] =	ssyncadd.s32 $0xFFFFFFB0  }
0x98: {  	[spmem:s1] =	stream.indirect.scatter.add.f32 [tilespmem:s9], [sflag:$0x1], $0x10, s3, s2, $0xb8;
	[tilespmem:$0x3FA0] =	vst v63  }
.LBB2_4:
0x99: {  	p0 =	sne.s32 s14, $0x7D  }
.Ltmp1:
0x9a: {  	_ = 	snop;
	(pc) =	sbr.rel @!p0 .LBB2_5-.Ltmp1, $4  }
0x9b: {  	_ = 	snop  }
0x9c: {  	_ =	swait.ge [sflag:s10], $0x500  }
0x9d: {  	[sflag:s10] =	ssyncset.done $0x0  }
0x9e: {  	[sflag:s10] =	ssyncadd.s32 $0xFFFFFB00  }
0x9f: {  	s15 =	sand.u32 $0x1, s14  }
0xa0: {  	s16 =	sadd.s32 $0xFFFFFFFF, s14;
	p0 =	seq.s32 s15, $0x1;
	s15 =	simm.s32 $0x50  }
0xa1: {  	s17 =	sand.u32 $0x1, s16;
	s15 =	simm.s32 @!p0 $0x0  }
0xa2: {  	[tilespmem:s15], [sflag:$0x2] =	stream.linear.gather [hbm4b:s8+s3], $0x50, $0x38;
	[tilespmem:$0x3FA0] =	vst v63  }
0xa3: {  	s14 =	sadd.s32 $0x1, s14;
	p0 =	seq.s32 s17, $0x1;
	s15 =	simm.s32 $0x50  }
0xa4: {  	s15 =	simm.s32 @!p0 $0x0;
	p0 =	sne.s32 s14, $0x7E  }
.Ltmp2:
0xa5: {  	_ = 	snop;
	(pc) =	sbr.rel @p0 .LBB2_4-.Ltmp2, $4  }
.Ltmp3:
0xa6: {  	_ =	swait.ge [sflag:s11], $0x50;
	(pc) =	sbr.rel @!p0 .LBB2_7-.Ltmp3, $4  }
0xa7: {  	[sflag:s11] =	ssyncset.done $0x0  }
0xa8: {  	s8 =	sadd.s32 $0xA, s8;
	[sflag:s11] =	ssyncadd.s32 $0xFFFFFFB0  }
0xa9: {  	[spmem:s1] =	stream.indirect.scatter.add.f32 [tilespmem:s9], [sflag:$0x1], $0x10, s15, s2, $0xb8;
	[tilespmem:$0x3FA0] =	vst v63  }
0xaa: {  	_ = 	snop  }
.LBB2_5:
0xab: {  	[spmem:s1] =	stream.indirect.scatter.add.f32 [tilespmem:s9], [sflag:$0x1], $0x10, s3, s2, $0xb8;
	[tilespmem:$0x3FA0] =	vst v63  }
.LBB2_7:
0xac: {  	_ =	swait.ge [sflag:s10], $0x500  }
0xad: {  	[sflag:s10] =	ssyncset.done $0x0  }
0xae: {  	[sflag:s10] =	ssyncadd.s32 $0xFFFFFB00  }
0xaf: {  	s14 =	simm.s32 $0x0;
	[bflag:$0x0] =	sbarrier.arrive $0xFFFF  }
.LBB2_8:
0xb0: {  	s8 =	sshll.u32 s14, $0x5  }
0xb1: {  	s15 =	sadd.s32 s5, s8  }
0xb2: {  	s8 =	sshll.u32 s15, $0x4  }
0xb3: {  	s8 =	sand.u32 $0x3FFFFFF0, s8  }
0xb4: {  	s8 =	sadd.s32 s8, s1  }
0xb5: {  	[tilespmem:s0], [sflag:$0x2] =	stream.linear.gather [spmem:s8], $0x200, $0x38;
	[tilespmem:$0x3FA0] =	vst v63  }
0xb6: {  	_ =	swait.ge [sflag:s11], $0x200  }
0xb7: {  	[sflag:s11] =	ssyncset.done $0x0  }
0xb8: {  	s17 =	simm.s32 $0x0;
	[sflag:s11] =	ssyncadd.s32 $0xFFFFFE00  }
0xb9: {  	v2 =	vld [tilespmem:s17+$0x5A0];
	_ =	sdelay $0x3  }
0xba: {  	s8 =	simm.s32 $0x7E0  }
0xbb: {  	[tilespmem:s8+$0xFFFFFFC0] =	vst v2  }
0xbc: {  	[tilespmem:s8+$0xFFFFFFD0] =	vst v2  }
0xbd: {  	[tilespmem:s8+$0xFFFFFFE0] =	vst v2  }
0xbe: {  	[tilespmem:s8+$0xFFFFFFF0] =	vst v2  }
0xbf: {  	[tilespmem:s8+$0x0] =	vst v2  }
0xc0: {  	[tilespmem:s8+$0x10] =	vst v2  }
0xc1: {  	[tilespmem:s8+$0x20] =	vst v2  }
0xc2: {  	s16 =	simm.s32 $0x80;
	s17 =	simm.s32 $0x10;
	[tilespmem:s8+$0x30] =	vst v2  }
.LBB2_9:
0xc3: {  	p0 =	sne.s32 s16, $0x7C0;
	v2 =	vld [tilespmem:s17+$0x5A0];
	_ =	sdelay $0x3  }
0xc4: {  	s8 =	sadd.s32 $0x80, s8  }
0xc5: {  	[tilespmem:s8+$0xFFFFFFC0] =	vst v2  }
0xc6: {  	[tilespmem:s8+$0xFFFFFFD0] =	vst v2  }
0xc7: {  	[tilespmem:s8+$0xFFFFFFE0] =	vst v2  }
.Ltmp4:
0xc8: {  	[tilespmem:s8+$0xFFFFFFF0] =	vst v2;
	(pc) =	sbr.rel @p0 .LBB2_9-.Ltmp4, $4  }
0xc9: {  	[tilespmem:s8+$0x0] =	vst v2  }
0xca: {  	[tilespmem:s8+$0x10] =	vst v2  }
0xcb: {  	[tilespmem:s8+$0x20] =	vst v2  }
0xcc: {  	s17 =	sshra.s32 s16, $0x2;
	s16 =	sadd.s32 $0x40, s16;
	[tilespmem:s8+$0x30] =	vst v2  }
0xcd: {  	v2 =	vld [tilespmem:s17+$0x5A0];
	_ =	sdelay $0x3  }
0xce: {  	s8 =	sadd.s32 $0x80, s8  }
0xcf: {  	[tilespmem:s8+$0xFFFFFFC0] =	vst v2  }
0xd0: {  	[tilespmem:s8+$0xFFFFFFD0] =	vst v2  }
0xd1: {  	[tilespmem:s8+$0xFFFFFFE0] =	vst v2  }
0xd2: {  	[tilespmem:s8+$0xFFFFFFF0] =	vst v2  }
0xd3: {  	s15 =	sshll.u32 s15, $0x7;
	[tilespmem:s8+$0x0] =	vst v2  }
0xd4: {  	s14 =	sadd.s32 $0x1, s14;
	s15 =	sadd.s32 s7, s15;
	[tilespmem:s8+$0x10] =	vst v2  }
0xd5: {  	p0 =	sne.s32 s14, $0x14;
	s15 =	sshrl.u32 s15, $0x3;
	[tilespmem:s8+$0x20] =	vst v2  }
.Ltmp5:
0xd6: {  	s17 =	sadd.s32 s4, s15;
	[tilespmem:s8+$0x30] =	vst v2;
	(pc) =	sbr.rel @p0 .LBB2_8-.Ltmp5, $4  }
0xd7: {  	[hbm4b:s17+s3] =	stream.linear.scatter [tilespmem:s12], [sflag:$0x2], $0x1000, $0x38;
	[tilespmem:$0x3FA0] =	vst v63  }
0xd8: {  	_ =	swait.ge [sflag:s11], $0x1000  }
0xd9: {  	[sflag:s11] =	ssyncset.done $0x0  }
0xda: {  	[sflag:s11] =	ssyncadd.s32 $0xFFFFF000  }
0xdb: {  	s13 =	sadd.s32 $0x1, s13;
	s8 =	rddreg [dreg:$0x3]  }
0xdc: {  	p0 =	sne.s32 s13, s8  }
.Ltmp6:
0xdd: {  	_ = 	snop;
	(pc) =	sbr.rel @p0 .LBB2_1-.Ltmp6, $1  }
0xde: {  	_ =	sdelay $0x3  }
0xdf: {  	_ =	sfence.sel $0x180000  }
0xe0: {  	[bflag:$0x0] =	sbarrier.arrive $0xFFFF  }
0xe1: {  	_ =	strace $0x90000047  }
0xe2: {  	s0 =	stileid.u32;
	[bflag:$0x2] =	sbarrier.arrive $0xFFFF  }
0xe3: {  	p0 =	sne.s32 s0, $0x0;
	s0 =	rddreg [dreg:$0x2]  }
0xe4: {  	s0 =	sadd.s32 @!p0 $0x100000, s0  }
0xe5: {  	[sflag:s0] =	ssyncadd.tile.s32 @!p0 $0x1;
	_ =	shalt  }
.Lfunc_end2:
_tile_overlayer_lowered:
.L_overlay_start_2:
0xe6: {  	(tag) =	ssettag $0x2  }
0xe7: {  	s0 =	rddreg [dreg:$0x0];
	s2 =	stileid.u32  }
0xe8: {  	s1 =	rddreg [dreg:$0x1];
	p0 =	sne.s32 s2, $0x0  }
0xe9: {  	s3 =	rddreg [dreg:$0x2];
	[bflag:$0x3] =	sbarrier.arrive $0xFFFF;
	s2 =	simm.s32 @!p0 $0x1C02  }
0xea: {  	[timem:s3], [sflag:s2] =	dma.local @!p0 [hbm:s0], s1  }
0xeb: {  	s0 =	simm.s32 @!p0 $0x2  }
0xec: {  	_ =	swait.ge @!p0 [sflag:s0], s1  }
0xed: {  	s1 =	ssub.s32 @!p0 $0x0, s1;
	[sflag:s0] =	ssyncset.done @!p0 $0x0  }
0xee: {  	[sflag:s0] =	ssyncadd.s32 @!p0 s1  }
0xef: {  	[bflag:$0x3] =	sbarrier.arrive $0xFFFF  }
0xf0: {  	_ =	shalt  }

</sc_bundles>
